<compile_context>
chip_gen: v7x
topology: tpu7x:2x2x1
jax: 0.10.2.dev20260603
libtpu: 0.0.44.dev20260713+nightly
codegen_flags: <defaults>
</compile_context>

<pallas_src>
import jax
import jax.numpy as jnp
from jax import lax
from jax.experimental import pallas as pl
from jax.experimental.pallas import tpu as pltpu
from jax.experimental.pallas import tpu_sc as plsc

NCLS = 10
BATCH = 16384
MARGIN = 1.25
THR = BATCH * 0.4
EASY = 0.9
NSUB = 16
RPT = BATCH // NSUB
NGRP = RPT // 16
GPB = 4
NBLK = NGRP // GPB
BIG = 1 << 30


def _body(predflat_hbm, gt_hbm, out_hbm,
          predL, gtL, aL, gateL, pubL, shpub, mergeL, cntL, mrgout, shmerge,
          mergedL, idxbuf, valbuf, paramL, shparam, resL, shres, allres,
          outv, sem, sempred, semgt, sempub, semmrg):
    cid = lax.axis_index("c")
    sid = lax.axis_index("s")
    iot = lax.iota(jnp.int32, 16)
    bigv = jnp.full((16,), BIG, jnp.int32)
    base = sid * RPT

    dpred = pltpu.async_copy(
        predflat_hbm.at[pl.ds(base * NCLS, RPT * NCLS)], predL, sempred)
    dgt = pltpu.async_copy(gt_hbm.at[pl.ds(base, RPT)], gtL, semgt)
    dgt.wait()

    def ft_init(c, _):
        pubL[pl.ds(c * 64, 16)] = bigv
        pubL[pl.ds(c * 64 + 16, 16)] = bigv
        pubL[pl.ds(c * 64 + 32, 16)] = bigv
        pubL[pl.ds(c * 64 + 48, 16)] = bigv
        return 0

    lax.fori_loop(0, NCLS, ft_init, 0)

    def ft_cond(carry):
        blk, done = carry
        return jnp.logical_and(blk < NBLK, done == 0)

    def ft_body(carry):
        blk = carry[0]

        def ft_grp(gg, _):
            off = (blk * GPB + gg) * 16
            rglob = off + iot + base
            gt_vec = gtL[pl.ds(off, 16)]

            def ft_cls(c, _):
                o = c * 64
                pm = pubL[pl.ds(o, 16)]
                ps = pubL[pl.ds(o + 16, 16)]
                nm = pubL[pl.ds(o + 32, 16)]
                ns = pubL[pl.ds(o + 48, 16)]
                same_c = gt_vec == c
                candp = jnp.where(same_c, rglob, bigv)
                pubL[pl.ds(o + 16, 16)] = jnp.minimum(
                    ps, jnp.maximum(pm, candp))
                pubL[pl.ds(o, 16)] = jnp.minimum(pm, candp)
                candn = jnp.where(same_c, bigv, rglob)
                pubL[pl.ds(o + 48, 16)] = jnp.minimum(
                    ns, jnp.maximum(nm, candn))
                pubL[pl.ds(o + 32, 16)] = jnp.minimum(nm, candn)
                return 0

            lax.fori_loop(0, NCLS, ft_cls, 0)
            return 0

        lax.fori_loop(0, GPB, ft_grp, 0)

        def ft_chk(c, worst):
            o = c * 64
            worst = jnp.maximum(worst, jnp.min(pubL[pl.ds(o + 16, 16)]))
            return jnp.maximum(worst, jnp.min(pubL[pl.ds(o + 48, 16)]))

        worst = lax.fori_loop(0, NCLS, ft_chk, jnp.int32(0))
        done = jnp.where(worst < BIG, jnp.int32(1), jnp.int32(0))
        return blk + 1, done

    lax.while_loop(ft_cond, ft_body, (jnp.int32(0), jnp.int32(0)))

    dft = pltpu.async_copy(pubL.at[pl.ds(0, 640)],
                           shpub.at[pl.ds(sid * 640, 640)], sempub)

    dpred.wait()

    def tree(vals, op):
        while len(vals) > 1:
            vals = [op(vals[i], vals[i + 1]) if i + 1 < len(vals) else vals[i]
                    for i in range(0, len(vals), 2)]
        return vals[0]

    def one_group(off, cnts):
        rloc = off + iot
        gt_vec = gtL[pl.ds(off, 16)]
        r10 = rloc * NCLS
        vs = [plsc.load_gather(predL, [r10 + c]) for c in range(NCLS)]
        rowmax = tree(list(vs), jnp.maximum)
        es = [jnp.exp(vs[c] - rowmax) for c in range(NCLS)]
        sumexp = tree(es, jnp.add)
        same = [gt_vec == c for c in range(NCLS)]
        zerof = jnp.zeros((16,), jnp.float32)
        a = tree([jnp.where(same[c], vs[c], zerof) for c in range(NCLS)],
                 jnp.add)
        ncnts = [cnts[c] + same[c].astype(jnp.int32) for c in range(NCLS)]
        ea = jnp.exp(a - rowmax)
        gate = jnp.where(ea > EASY * sumexp, jnp.float32(1.0),
                         jnp.float32(0.0))
        aL[pl.ds(off, 16)] = a
        gateL[pl.ds(off, 16)] = gate
        return ncnts

    h0 = cid * (NGRP // 2)

    def grp(g, cnts):
        return one_group((h0 + g) * 16, cnts)

    zi = jnp.zeros((16,), jnp.int32)
    cnts = lax.fori_loop(0, NGRP // 2, grp, [zi] * NCLS)

    oh0 = (NGRP // 2) - h0

    def grpc(g, cnts):
        gt_vec = gtL[pl.ds((oh0 + g) * 16, 16)]
        return [cnts[c] + (gt_vec == c).astype(jnp.int32)
                for c in range(NCLS)]

    cnts = lax.fori_loop(0, NGRP // 2, grpc, cnts)

    for c in range(NCLS):
        pubL[pl.ds(640 + c * 16, 16)] = cnts[c]
    dcnt = pltpu.async_copy(pubL.at[pl.ds(640, 160)],
                            shpub.at[pl.ds(NSUB * 640 + sid * 160, 160)],
                            sempub)
    dft.wait()
    dcnt.wait()

    plsc.subcore_barrier()

    @pl.when(sid < NCLS)
    def _merge():
        def issue(t, _):
            pltpu.async_copy(shpub.at[pl.ds(t * 640 + sid * 64, 64)],
                             mergeL.at[pl.ds(t * 64, 64)], semmrg)
            return 0

        lax.fori_loop(0, NSUB, issue, 0)
        pltpu.sync_copy(shpub.at[pl.ds(NSUB * 640, NSUB * 160)], cntL)
        pltpu.make_async_copy(predflat_hbm.at[pl.ds(0, NSUB * 64)], mergeL,
                              semmrg).wait()

        c16 = sid * 16

        def addc(t, acc):
            return acc + cntL[pl.ds(t * 160 + c16, 16)]

        count_c = jnp.sum(lax.fori_loop(1, NSUB, addc,
                                        cntL[pl.ds(c16, 16)]))

        def two_min(o1, o2):
            def step(t, ms):
                m, s = ms
                mt = mergeL[pl.ds(t * 64 + o1, 16)]
                st = mergeL[pl.ds(t * 64 + o2, 16)]
                s = jnp.minimum(jnp.minimum(s, st), jnp.maximum(m, mt))
                return jnp.minimum(m, mt), s

            m, s = lax.fori_loop(1, NSUB, step,
                                 (mergeL[pl.ds(o1, 16)],
                                  mergeL[pl.ds(o2, 16)]))
            f1 = jnp.min(m)
            hit = m == f1
            m2 = jnp.where(hit, bigv, m)
            s_at = jnp.where(hit, s, bigv)
            f2 = jnp.minimum(jnp.min(m2), jnp.min(s_at))
            return f1, f2

        f1, f2 = two_min(0, 16)
        g1, g2 = two_min(32, 48)
        lane = iot == sid
        zif = jnp.zeros((16,), jnp.int32)
        mrgout[pl.ds(0, 16)] = jnp.where(lane, count_c, zif)
        mrgout[pl.ds(16, 16)] = jnp.where(lane, f1, zif)
        mrgout[pl.ds(32, 16)] = jnp.where(lane, f2, zif)
        mrgout[pl.ds(48, 16)] = jnp.where(lane, g1, zif)
        mrgout[pl.ds(64, 16)] = jnp.where(lane, g2, zif)
        pltpu.sync_copy(mrgout, shmerge.at[pl.ds(sid * 80, 80)])

    plsc.subcore_barrier()

    @pl.when(sid == 0)
    def _params():
        pltpu.sync_copy(shmerge, mergedL)

        def gathered(o):
            def step(c, v):
                return v + mergedL[pl.ds(c * 80 + o, 16)]
            return lax.fori_loop(1, NCLS, step, mergedL[pl.ds(o, 16)])

        cntv = gathered(0)
        f1v = gathered(16)
        f2v = gathered(32)
        g1v = gathered(48)
        g2v = gathered(64)

        def flatidx(v):
            v = jnp.clip(v, 0, BATCH - 1)
            return v * NCLS + jnp.minimum(iot, NCLS - 1)

        idxbuf[pl.ds(0, 16)] = flatidx(f1v)
        idxbuf[pl.ds(16, 16)] = flatidx(f2v)
        idxbuf[pl.ds(32, 16)] = flatidx(g1v)
        idxbuf[pl.ds(48, 16)] = flatidx(g2v)
        dval = pltpu.async_copy(predflat_hbm.at[idxbuf], valbuf, sem)

        keyv = jnp.where(iot < NCLS, cntv * 16 + iot,
                         jnp.full((16,), BIG, jnp.int32))
        def mstep(c, cums):
            cnt_c = jnp.sum(jnp.where(iot == c, cntv,
                                      jnp.zeros((16,), jnp.int32)))
            key_c = cnt_c * 16 + c
            return cums + jnp.where(key_c <= keyv,
                                    cnt_c.astype(jnp.float32),
                                    jnp.float32(0.0))

        cums = lax.fori_loop(0, NCLS, mstep, jnp.zeros((16,), jnp.float32))
        sel = jnp.where(cums <= THR, jnp.float32(1.0), jnp.float32(0.0))

        cntf = cntv.astype(jnp.float32)
        ncf = jnp.float32(BATCH) - cntf
        one = jnp.full((16,), 1.0, jnp.float32)
        zero = jnp.zeros((16,), jnp.float32)
        pv1 = jnp.where(cntf >= 2.0, one, zero)
        nv0 = jnp.where(ncf >= 1.0, one, zero)
        nv1 = jnp.where(ncf >= 2.0, one, zero)
        dval.wait()
        paramL[pl.ds(0, 16)] = sel
        paramL[pl.ds(16, 16)] = valbuf[pl.ds(0, 16)]
        paramL[pl.ds(32, 16)] = valbuf[pl.ds(16, 16)]
        paramL[pl.ds(48, 16)] = valbuf[pl.ds(32, 16)]
        paramL[pl.ds(64, 16)] = valbuf[pl.ds(48, 16)]
        paramL[pl.ds(80, 16)] = nv0
        paramL[pl.ds(96, 16)] = nv1
        paramL[pl.ds(112, 16)] = pv1 * nv0
        paramL[pl.ds(128, 16)] = pv1 * nv1
        paramL[pl.ds(144, 16)] = jnp.minimum(cntf, 2.0) * jnp.minimum(ncf, 2.0)
        pltpu.sync_copy(paramL, shparam)

    plsc.subcore_barrier()

    pltpu.sync_copy(shparam, paramL)
    g0 = cid * (NGRP // 2)

    def grp2(g, carry):
        tot, cnt = carry
        off = (g0 + g) * 16
        av = aL[pl.ds(off, 16)]
        gv = gateL[pl.ds(off, 16)]
        gt_vec = gtL[pl.ds(off, 16)]
        pr = [plsc.load_gather(paramL, [gt_vec + r * 16]) for r in range(10)]
        sel, p1, p2, n1, n2, w00, w01, w10, w11, pq = pr
        ap1 = jnp.abs(av - p1)
        ap2 = jnp.abs(av - p2)
        an1 = av - n1
        an2 = av - n2
        h = (jnp.maximum(ap1 - an1 + MARGIN, 0.0) * w00
             + jnp.maximum(ap1 - an2 + MARGIN, 0.0) * w01
             + jnp.maximum(ap2 - an1 + MARGIN, 0.0) * w10
             + jnp.maximum(ap2 - an2 + MARGIN, 0.0) * w11)
        gs = gv * sel
        return tot + gs * h, cnt + gs * pq

    zf = jnp.zeros((16,), jnp.float32)
    tot, cnt = lax.fori_loop(0, NGRP // 2, grp2, (zf, zf))
    resL[pl.ds(0, 16)] = tot
    resL[pl.ds(16, 16)] = cnt
    pltpu.sync_copy(resL, shres.at[pl.ds(sid * 32, 32)])

    plsc.subcore_barrier()

    @pl.when(sid == 0)
    def _final():
        pltpu.sync_copy(shres, allres)

        def radd(t, tc):
            tv, cv = tc
            return (tv + allres[pl.ds(t * 32, 16)],
                    cv + allres[pl.ds(t * 32 + 16, 16)])

        tv, cv = lax.fori_loop(1, NSUB, radd,
                               (allres[pl.ds(0, 16)],
                                allres[pl.ds(16, 16)]))
        tots = jnp.sum(tv)
        cnts = jnp.sum(cv)
        outv[...] = jnp.where(iot == 0, tots,
                              jnp.where(iot == 1, cnts, jnp.float32(0.0)))
        pltpu.sync_copy(outv, out_hbm.at[pl.ds(cid * 16, 16)])


_mesh = plsc.VectorSubcoreMesh(core_axis_name="c", subcore_axis_name="s",
                               num_cores=2, num_subcores=16)

_sc_loss = pl.kernel(
    _body,
    out_type=jax.ShapeDtypeStruct((32,), jnp.float32),
    mesh=_mesh,
    compiler_params=pltpu.CompilerParams(needs_layout_passes=False),
    scratch_types=[
        pltpu.VMEM((RPT * NCLS,), jnp.float32),
        pltpu.VMEM((RPT,), jnp.int32),
        pltpu.VMEM((RPT,), jnp.float32),
        pltpu.VMEM((RPT,), jnp.float32),
        pltpu.VMEM((800,), jnp.int32),
        pltpu.VMEM_SHARED((NSUB * 800,), jnp.int32),
        pltpu.VMEM((NSUB * 64,), jnp.int32),
        pltpu.VMEM((NSUB * 160,), jnp.int32),
        pltpu.VMEM((80,), jnp.int32),
        pltpu.VMEM_SHARED((NCLS * 80,), jnp.int32),
        pltpu.VMEM((NCLS * 80,), jnp.int32),
        pltpu.VMEM((64,), jnp.int32),
        pltpu.VMEM((64,), jnp.float32),
        pltpu.VMEM((160,), jnp.float32),
        pltpu.VMEM_SHARED((160,), jnp.float32),
        pltpu.VMEM((32,), jnp.float32),
        pltpu.VMEM_SHARED((NSUB * 32,), jnp.float32),
        pltpu.VMEM((NSUB * 32,), jnp.float32),
        pltpu.VMEM((16,), jnp.float32),
        pltpu.SemaphoreType.DMA,
        pltpu.SemaphoreType.DMA,
        pltpu.SemaphoreType.DMA,
        pltpu.SemaphoreType.DMA,
        pltpu.SemaphoreType.DMA,
    ],
)


def kernel(pred, gt):
    out = _sc_loss(jnp.reshape(pred, (-1,)), gt)
    total = out[0] + out[16]
    cnt = out[1] + out[17]
    return jnp.where(cnt > 0.0, total / jnp.maximum(cnt, 1.0),
                     jnp.float32(0.0))

# --- scband reference (transcript-rebuilt; emitter-appended) ---
"""Pipeline reference for scband-tea-loss-70789650972774 (READ-ONLY COPY).

The authoritative reference and input builder live on the scoring server;
editing this copy changes nothing except your own understanding.
"""

import jax, jax.numpy as jnp
import numpy as np

K = 2
MARGIN = 1.25
MINOR_RATIO = 0.4
EASY_CRITERION = 0.9
BATCH = 16384
NUM_CLASS = 10


def setup_inputs(seed: int = 0) -> dict:
    key = jax.random.key(seed)
    k1, k2 = jax.random.split(key)
    # logits scaled by 4.0 so that softmax(pred)[gt] > 0.9 actually fires for some samples
    pred = jax.random.normal(k1, (BATCH, NUM_CLASS), dtype=jnp.float32) * 4.0
    gt = jax.random.randint(k2, (BATCH,), 0, NUM_CLASS, dtype=jnp.int32)
    return {"pred": pred, "gt": gt}


def reference(pred, gt):
    n = pred.shape[0]
    # replicates: d_cnt = torch.bincount(gt); minor list of (count, class) sorted;
    # greedily add classes while cumulative count <= n * minor_ratio
    counts = jnp.bincount(gt, length=NUM_CLASS)
    # sorted([(count, c)]) == argsort on unique key count*NUM_CLASS + c
    order = jnp.argsort(counts * NUM_CLASS + jnp.arange(NUM_CLASS))
    sorted_counts = counts[order]
    thr = n * MINOR_RATIO

    def greedy(sm, cnt_c):
        take = (cnt_c + sm) <= thr
        return sm + jnp.where(take, cnt_c, 0), take

    _, takes = jax.lax.scan(greedy, jnp.int32(0), sorted_counts)
    minor_mask = jnp.zeros((NUM_CLASS,), bool).at[order].set(takes)

    probs = jax.nn.softmax(pred, axis=-1)
    ranks = jnp.arange(K) + 1
    total = jnp.zeros((), jnp.float32)
    cnt = jnp.zeros((), jnp.float32)
    for c in range(NUM_CLASS):
        same = gt == c
        m = counts[c]
        pg = pred[:, c]                                      # pred[i][c] for all i
        prob_g = probs[:, c]
        gate = jax.lax.stop_gradient((prob_g > EASY_CRITERION).astype(jnp.float32))
        gate = gate * same.astype(jnp.float32)               # restrict to class-c anchors
        # NOTE: in the torch code `pos.sort(descending=True)` / `neg.sort()` return new
        # tensors that are DISCARDED (torch.Tensor.sort is not in-place), so the actual
        # behavior is: take the FIRST k same-class / diff-class entries in index order.
        # We replicate that actual behavior faithfully.
        cs = jnp.cumsum(same.astype(jnp.int32))
        cd = jnp.cumsum((~same).astype(jnp.int32))
        pos_sel = same[None, :] & (cs[None, :] == ranks[:, None])    # [K, n]
        neg_sel = (~same)[None, :] & (cd[None, :] == ranks[:, None])  # [K, n]
        pos_vals = jnp.sum(jnp.where(pos_sel, pg[None, :], 0.0), axis=1)  # [K]
        neg_vals = jnp.sum(jnp.where(neg_sel, pg[None, :], 0.0), axis=1)  # [K]
        p = jnp.minimum(m, K)
        q = jnp.minimum(n - m, K)
        pos_valid = (jnp.arange(K) < p).astype(jnp.float32)
        neg_valid = (jnp.arange(K) < q).astype(jnp.float32)
        pair_valid = pos_valid[:, None] * neg_valid[None, :]          # [K, K]
        # for j in pos: for kk in neg: AP = |pg - j|, AN = pg - kk
        AP = jnp.abs(pg[:, None, None] - pos_vals[None, :, None])     # [n, K, 1]
        AN = pg[:, None, None] - neg_vals[None, None, :]              # [n, 1, K]
        # MarginRankingLoss(AN, AP, y=1, margin, reduction='sum') = sum max(0, AP - AN + margin)
        hinge = jnp.maximum(AP - AN + MARGIN, 0.0)                    # [n, K, K]
        sel = jnp.where(minor_mask[c], jnp.float32(1.0), jnp.float32(0.0))
        total = total + sel * jnp.sum(hinge * gate[:, None, None] * pair_valid[None, :, :])
        cnt = cnt + sel * jnp.sum(gate) * (p * q).astype(jnp.float32)
    # divide by number of appended pairs (y.shape[0]); 0.0 if no pairs
    loss = jnp.where(cnt > 0, total / jnp.maximum(cnt, 1.0), jnp.zeros((), jnp.float32))
    return loss

if __name__ == "__main__":
    import jax
    _d = setup_inputs()
    print(jax.jit(kernel)(*tuple(_d.values())))

</pallas_src>

<mosaic_0001>
#map = affine_map<(d0, d1) -> (0)>
module attributes {stable_mosaic.version = 14 : i64} {
  func.func @_body(%arg0: i32, %arg1: i32, %arg2: memref<163840xf32, #tpu.memory_space<hbm>>, %arg3: memref<16384xi32, #tpu.memory_space<hbm>>, %arg4: memref<32xf32, #tpu.memory_space<hbm>>, %arg5: memref<10240xf32, #tpu.memory_space<vmem>>, %arg6: memref<1024xi32, #tpu.memory_space<vmem>>, %arg7: memref<1024xf32, #tpu.memory_space<vmem>>, %arg8: memref<1024xf32, #tpu.memory_space<vmem>>, %arg9: memref<800xi32, #tpu.memory_space<vmem>>, %arg10: memref<12800xi32, #tpu.memory_space<vmem_shared>>, %arg11: memref<1024xi32, #tpu.memory_space<vmem>>, %arg12: memref<2560xi32, #tpu.memory_space<vmem>>, %arg13: memref<80xi32, #tpu.memory_space<vmem>>, %arg14: memref<800xi32, #tpu.memory_space<vmem_shared>>, %arg15: memref<800xi32, #tpu.memory_space<vmem>>, %arg16: memref<64xi32, #tpu.memory_space<vmem>>, %arg17: memref<64xf32, #tpu.memory_space<vmem>>, %arg18: memref<160xf32, #tpu.memory_space<vmem>>, %arg19: memref<160xf32, #tpu.memory_space<vmem_shared>>, %arg20: memref<32xf32, #tpu.memory_space<vmem>>, %arg21: memref<512xf32, #tpu.memory_space<vmem_shared>>, %arg22: memref<512xf32, #tpu.memory_space<vmem>>, %arg23: memref<16xf32, #tpu.memory_space<vmem>>, %arg24: memref<!tpu.dma_semaphore, #tpu.memory_space<semaphore_mem>>, %arg25: memref<!tpu.dma_semaphore, #tpu.memory_space<semaphore_mem>>, %arg26: memref<!tpu.dma_semaphore, #tpu.memory_space<semaphore_mem>>, %arg27: memref<!tpu.dma_semaphore, #tpu.memory_space<semaphore_mem>>, %arg28: memref<!tpu.dma_semaphore, #tpu.memory_space<semaphore_mem>>) attributes {dimension_semantics = [#tpu.dimension_semantics<core_parallel>, #tpu.dimension_semantics<subcore_parallel>], iteration_bounds = array<i64: 2, 16>, scalar_prefetch = 0 : i64, scratch_operands = 24 : i64, tpu.core_type = #tpu.core_type<sc_vector_subcore>, window_params = [{transform_indices = #map}, {transform_indices = #map}, {transform_indices = #map}]} {
    %iota3A = tpu.iota {dimensions = array<i32: 0>} : vector<16xi32>
    %broadcast_in_dim3A = arith.constant 1073741824 : i32
    %broadcast_in_dim3A_0 = vector.broadcast %broadcast_in_dim3A : i32 to vector<16xi32>
    %mul3A = arith.constant 1024 : i32
    %mul3A_1 = arith.muli %arg1, %mul3A : i32
    %mul3A_2 = arith.constant 10 : i32
    %mul3A_3 = arith.muli %mul3A_1, %mul3A_2 : i32
    %dma_start3A = tpu.memref_slice %arg2[%mul3A_3] : memref<163840xf32, #tpu.memory_space<hbm>> -> memref<10240xf32, #tpu.memory_space<hbm>>
    %dma_start3A_4 = tpu.memref_slice %arg2[%mul3A_3] : memref<163840xf32, #tpu.memory_space<hbm>> -> memref<10240xf32, #tpu.memory_space<hbm>>
    tpu.enqueue_dma source(%dma_start3A_4 : memref<10240xf32, #tpu.memory_space<hbm>>) target(%arg5 : memref<10240xf32, #tpu.memory_space<vmem>>) target_semaphore(%arg25 : memref<!tpu.dma_semaphore, #tpu.memory_space<semaphore_mem>>)
    %dma_start3A_5 = tpu.memref_slice %arg3[%mul3A_1] : memref<16384xi32, #tpu.memory_space<hbm>> -> memref<1024xi32, #tpu.memory_space<hbm>>
    %dma_start3A_6 = tpu.memref_slice %arg3[%mul3A_1] : memref<16384xi32, #tpu.memory_space<hbm>> -> memref<1024xi32, #tpu.memory_space<hbm>>
    tpu.enqueue_dma source(%dma_start3A_6 : memref<1024xi32, #tpu.memory_space<hbm>>) target(%arg6 : memref<1024xi32, #tpu.memory_space<vmem>>) target_semaphore(%arg26 : memref<!tpu.dma_semaphore, #tpu.memory_space<semaphore_mem>>)
    %dma_wait3A = tpu.memref_slice %arg3[%mul3A_1] : memref<16384xi32, #tpu.memory_space<hbm>> -> memref<1024xi32, #tpu.memory_space<hbm>>
    %dma_wait3A_7 = tpu.memref_slice %arg3[%mul3A_1] : memref<16384xi32, #tpu.memory_space<hbm>> -> memref<1024xi32, #tpu.memory_space<hbm>>
    tpu.wait_dma2 semaphore(%arg26 : memref<!tpu.dma_semaphore, #tpu.memory_space<semaphore_mem>>) src(%dma_wait3A_7 : memref<1024xi32, #tpu.memory_space<hbm>>) dst(%arg6 : memref<1024xi32, #tpu.memory_space<vmem>>)
    %scan3A = arith.constant 0 : i32
    %scan3A_8 = arith.constant 0 : i32
    %scan3A_9 = arith.constant 10 : i32
    %scan3A_10 = arith.addi %scan3A_8, %scan3A_9 : i32
    %scan3A_11 = arith.constant 1 : i32
    %scan3A_12 = scf.for %scan3A_113 = %scan3A_8 to %scan3A_10 step %scan3A_11 iter_args(%scan3A_114 = %scan3A) -> (i32)  : i32 {
      %mul3A_115 = arith.constant 64 : i32
      %mul3A_116 = arith.muli %scan3A_113, %mul3A_115 : i32
      %swap3A_117 = arith.index_cast %mul3A_116 : i32 to index
      %swap3A_118 = tpu.vector_load %arg9[%swap3A_117] {strides = array<i32>} : memref<800xi32, #tpu.memory_space<vmem>>, vector<16xi32>,
      tpu.vector_store %arg9[%swap3A_117], %broadcast_in_dim3A_0 {strides = array<i32>} : memref<800xi32, #tpu.memory_space<vmem>>, vector<16xi32>,
      %mul3A_119 = arith.constant 64 : i32
      %mul3A_120 = arith.muli %scan3A_113, %mul3A_119 : i32
      %add3A_121 = arith.constant 16 : i32
      %add3A_122 = arith.addi %mul3A_120, %add3A_121 : i32
      %swap3A_123 = arith.index_cast %add3A_122 : i32 to index
      %swap3A_124 = tpu.vector_load %arg9[%swap3A_123] {strides = array<i32>} : memref<800xi32, #tpu.memory_space<vmem>>, vector<16xi32>,
      tpu.vector_store %arg9[%swap3A_123], %broadcast_in_dim3A_0 {strides = array<i32>} : memref<800xi32, #tpu.memory_space<vmem>>, vector<16xi32>,
      %mul3A_125 = arith.constant 64 : i32
      %mul3A_126 = arith.muli %scan3A_113, %mul3A_125 : i32
      %add3A_127 = arith.constant 32 : i32
      %add3A_128 = arith.addi %mul3A_126, %add3A_127 : i32
      %swap3A_129 = arith.index_cast %add3A_128 : i32 to index
      %swap3A_130 = tpu.vector_load %arg9[%swap3A_129] {strides = array<i32>} : memref<800xi32, #tpu.memory_space<vmem>>, vector<16xi32>,
      tpu.vector_store %arg9[%swap3A_129], %broadcast_in_dim3A_0 {strides = array<i32>} : memref<800xi32, #tpu.memory_space<vmem>>, vector<16xi32>,
      %mul3A_131 = arith.constant 64 : i32
      %mul3A_132 = arith.muli %scan3A_113, %mul3A_131 : i32
      %add3A_133 = arith.constant 48 : i32
      %add3A_134 = arith.addi %mul3A_132, %add3A_133 : i32
      %swap3A_135 = arith.index_cast %add3A_134 : i32 to index
      %swap3A_136 = tpu.vector_load %arg9[%swap3A_135] {strides = array<i32>} : memref<800xi32, #tpu.memory_space<vmem>>, vector<16xi32>,
      tpu.vector_store %arg9[%swap3A_135], %broadcast_in_dim3A_0 {strides = array<i32>} : memref<800xi32, #tpu.memory_space<vmem>>, vector<16xi32>,
      %scan3A_137 = arith.constant 0 : i32
      scf.yield %scan3A_137 : i32
    }
    %scan3A_13 = arith.constant 10 : i32
    %while3A = arith.constant 0 : i32
    %while3A_14 = arith.constant 0 : i32
    %while3A_15:2 = scf.while (%while3A_113 = %while3A, %while3A_114 = %while3A_14) : (i32, i32) -> (i32, i32) {
      %lt3A_115 = arith.constant 16 : i32
      %lt3A_116 = arith.cmpi slt, %while3A_113, %lt3A_115 : i32
      %eq3A_117 = arith.constant 0 : i32
      %eq3A_118 = arith.cmpi eq, %while3A_114, %eq3A_117 : i32
      %and3A = arith.andi %lt3A_116, %eq3A_118 : i1
      scf.condition(%and3A) %while3A_113, %while3A_114 : i32, i32
    } do {
    ^bb0(%while3A_113: i32, %while3A_114: i32):
      %scan3A_115 = arith.constant 0 : i32
      %scan3A_116 = arith.constant 0 : i32
      %scan3A_117 = arith.constant 4 : i32
      %scan3A_118 = arith.addi %scan3A_116, %scan3A_117 : i32
      %scan3A_119 = arith.constant 1 : i32
      %scan3A_120 = scf.for %scan3A_134 = %scan3A_116 to %scan3A_118 step %scan3A_119 iter_args(%scan3A_135 = %scan3A_115) -> (i32)  : i32 {
        %mul3A_136 = arith.constant 4 : i32
        %mul3A_137 = arith.muli %while3A_113, %mul3A_136 : i32
        %add3A_138 = arith.addi %mul3A_137, %scan3A_134 : i32
        %mul3A_139 = arith.constant 16 : i32
        %mul3A_140 = arith.muli %add3A_138, %mul3A_139 : i32
        %add3A_141 = vector.broadcast %mul3A_140 : i32 to vector<16xi32>
        %add3A_142 = arith.addi %add3A_141, %iota3A : vector<16xi32>
        %add3A_143 = vector.broadcast %mul3A_1 : i32 to vector<16xi32>
        %add3A_144 = arith.addi %add3A_142, %add3A_143 : vector<16xi32>
        %get3A = arith.index_cast %mul3A_140 : i32 to index
        %get3A_145 = tpu.vector_load %arg6[%get3A] {strides = array<i32>} : memref<1024xi32, #tpu.memory_space<vmem>>, vector<16xi32>,
        %scan3A_146 = arith.constant 0 : i32
        %scan3A_147 = arith.constant 0 : i32
        %scan3A_148 = arith.constant 10 : i32
        %scan3A_149 = arith.addi %scan3A_147, %scan3A_148 : i32
        %scan3A_150 = arith.constant 1 : i32
        %scan3A_151 = scf.for %scan3A_154 = %scan3A_147 to %scan3A_149 step %scan3A_150 iter_args(%scan3A_155 = %scan3A_146) -> (i32)  : i32 {
          %mul3A_156 = arith.constant 64 : i32
          %mul3A_157 = arith.muli %scan3A_154, %mul3A_156 : i32
          %get3A_158 = arith.index_cast %mul3A_157 : i32 to index
          %get3A_159 = tpu.vector_load %arg9[%get3A_158] {strides = array<i32>} : memref<800xi32, #tpu.memory_space<vmem>>, vector<16xi32>,
          %add3A_160 = arith.constant 16 : i32
          %add3A_161 = arith.addi %mul3A_157, %add3A_160 : i32
          %get3A_162 = arith.index_cast %add3A_161 : i32 to index
          %get3A_163 = tpu.vector_load %arg9[%get3A_162] {strides = array<i32>} : memref<800xi32, #tpu.memory_space<vmem>>, vector<16xi32>,
          %add3A_164 = arith.constant 32 : i32
          %add3A_165 = arith.addi %mul3A_157, %add3A_164 : i32
          %get3A_166 = arith.index_cast %add3A_165 : i32 to index
          %get3A_167 = tpu.vector_load %arg9[%get3A_166] {strides = array<i32>} : memref<800xi32, #tpu.memory_space<vmem>>, vector<16xi32>,
          %add3A_168 = arith.constant 48 : i32
          %add3A_169 = arith.addi %mul3A_157, %add3A_168 : i32
          %get3A_170 = arith.index_cast %add3A_169 : i32 to index
          %get3A_171 = tpu.vector_load %arg9[%get3A_170] {strides = array<i32>} : memref<800xi32, #tpu.memory_space<vmem>>, vector<16xi32>,
          %eq3A_172 = vector.broadcast %scan3A_154 : i32 to vector<16xi32>
          %eq3A_173 = arith.cmpi eq, %get3A_145, %eq3A_172 : vector<16xi32>
          %select_n3A_174 = arith.select %eq3A_173, %add3A_144, %broadcast_in_dim3A_0 : vector<16xi1>, vector<16xi32>
          %max3A = arith.maxsi %get3A_159, %select_n3A_174 : vector<16xi32>
          %min3A = arith.minsi %get3A_163, %max3A : vector<16xi32>
          %add3A_175 = arith.constant 16 : i32
          %add3A_176 = arith.addi %mul3A_157, %add3A_175 : i32
          %swap3A_177 = arith.index_cast %add3A_176 : i32 to index
          %swap3A_178 = tpu.vector_load %arg9[%swap3A_177] {strides = array<i32>} : memref<800xi32, #tpu.memory_space<vmem>>, vector<16xi32>,
          tpu.vector_store %arg9[%swap3A_177], %min3A {strides = array<i32>} : memref<800xi32, #tpu.memory_space<vmem>>, vector<16xi32>,
          %min3A_179 = arith.minsi %get3A_159, %select_n3A_174 : vector<16xi32>
          %swap3A_180 = arith.index_cast %mul3A_157 : i32 to index
          %swap3A_181 = tpu.vector_load %arg9[%swap3A_180] {strides = array<i32>} : memref<800xi32, #tpu.memory_space<vmem>>, vector<16xi32>,
          tpu.vector_store %arg9[%swap3A_180], %min3A_179 {strides = array<i32>} : memref<800xi32, #tpu.memory_space<vmem>>, vector<16xi32>,
          %select_n3A_182 = arith.select %eq3A_173, %broadcast_in_dim3A_0, %add3A_144 : vector<16xi1>, vector<16xi32>
          %max3A_183 = arith.maxsi %get3A_167, %select_n3A_182 : vector<16xi32>
          %min3A_184 = arith.minsi %get3A_171, %max3A_183 : vector<16xi32>
          %add3A_185 = arith.constant 48 : i32
          %add3A_186 = arith.addi %mul3A_157, %add3A_185 : i32
          %swap3A_187 = arith.index_cast %add3A_186 : i32 to index
          %swap3A_188 = tpu.vector_load %arg9[%swap3A_187] {strides = array<i32>} : memref<800xi32, #tpu.memory_space<vmem>>, vector<16xi32>,
          tpu.vector_store %arg9[%swap3A_187], %min3A_184 {strides = array<i32>} : memref<800xi32, #tpu.memory_space<vmem>>, vector<16xi32>,
          %min3A_189 = arith.minsi %get3A_167, %select_n3A_182 : vector<16xi32>
          %add3A_190 = arith.constant 32 : i32
          %add3A_191 = arith.addi %mul3A_157, %add3A_190 : i32
          %swap3A_192 = arith.index_cast %add3A_191 : i32 to index
          %swap3A_193 = tpu.vector_load %arg9[%swap3A_192] {strides = array<i32>} : memref<800xi32, #tpu.memory_space<vmem>>, vector<16xi32>,
          tpu.vector_store %arg9[%swap3A_192], %min3A_189 {strides = array<i32>} : memref<800xi32, #tpu.memory_space<vmem>>, vector<16xi32>,
          %scan3A_194 = arith.constant 0 : i32
          scf.yield %scan3A_194 : i32
        }
        %scan3A_152 = arith.constant 10 : i32
        %scan3A_153 = arith.constant 0 : i32
        scf.yield %scan3A_153 : i32
      }
      %scan3A_121 = arith.constant 4 : i32
      %scan3A_122 = arith.constant 0 : i32
      %scan3A_123 = arith.constant 0 : i32
      %scan3A_124 = arith.constant 10 : i32
      %scan3A_125 = arith.addi %scan3A_123, %scan3A_124 : i32
      %scan3A_126 = arith.constant 1 : i32
      %scan3A_127 = scf.for %scan3A_134 = %scan3A_123 to %scan3A_125 step %scan3A_126 iter_args(%scan3A_135 = %scan3A_122) -> (i32)  : i32 {
        %mul3A_136 = arith.constant 64 : i32
        %mul3A_137 = arith.muli %scan3A_134, %mul3A_136 : i32
        %add3A_138 = arith.constant 16 : i32
        %add3A_139 = arith.addi %mul3A_137, %add3A_138 : i32
        %get3A = arith.index_cast %add3A_139 : i32 to index
        %get3A_140 = tpu.vector_load %arg9[%get3A] {strides = array<i32>} : memref<800xi32, #tpu.memory_space<vmem>>, vector<16xi32>,
        %reduce_min3A = arith.constant true
        %reduce_min3A_141 = vector.broadcast %reduce_min3A : i1 to vector<16xi1>
        %reduce_min3A_142 = arith.constant -2147483648 : i32
        %reduce_min3A_143 = vector.broadcast %reduce_min3A_142 : i32 to vector<16xi32>
        %reduce_min3A_144 = arith.xori %get3A_140, %reduce_min3A_143 : vector<16xi32>
        %reduce_min3A_145 = tpu.scan <min>, %reduce_min3A_144 masked %reduce_min3A_141 : vector<16xi32>, vector<16xi1> -> vector<16xi32>
        %reduce_min3A_146 = arith.xori %reduce_min3A_145, %reduce_min3A_143 : vector<16xi32>
        %reduce_min3A_147 = vector.extract %reduce_min3A_146[15] : i32 from vector<16xi32>
        %max3A = arith.maxsi %scan3A_135, %reduce_min3A_147 : i32
        %add3A_148 = arith.constant 48 : i32
        %add3A_149 = arith.addi %mul3A_137, %add3A_148 : i32
        %get3A_150 = arith.index_cast %add3A_149 : i32 to index
        %get3A_151 = tpu.vector_load %arg9[%get3A_150] {strides = array<i32>} : memref<800xi32, #tpu.memory_space<vmem>>, vector<16xi32>,
        %reduce_min3A_152 = arith.constant true
        %reduce_min3A_153 = vector.broadcast %reduce_min3A_152 : i1 to vector<16xi1>
        %reduce_min3A_154 = arith.constant -2147483648 : i32
        %reduce_min3A_155 = vector.broadcast %reduce_min3A_154 : i32 to vector<16xi32>
        %reduce_min3A_156 = arith.xori %get3A_151, %reduce_min3A_155 : vector<16xi32>
        %reduce_min3A_157 = tpu.scan <min>, %reduce_min3A_156 masked %reduce_min3A_153 : vector<16xi32>, vector<16xi1> -> vector<16xi32>
        %reduce_min3A_158 = arith.xori %reduce_min3A_157, %reduce_min3A_155 : vector<16xi32>
        %reduce_min3A_159 = vector.extract %reduce_min3A_158[15] : i32 from vector<16xi32>
        %max3A_160 = arith.maxsi %max3A, %reduce_min3A_159 : i32
        scf.yield %max3A_160 : i32
      }
      %scan3A_128 = arith.constant 10 : i32
      %lt3A_129 = arith.constant 1073741824 : i32
      %lt3A_130 = arith.cmpi slt, %scan3A_127, %lt3A_129 : i32
      %jit3A = arith.constant 1 : i32
      %jit3A_131 = arith.constant 0 : i32
      %select_n3A = arith.select %lt3A_130, %jit3A, %jit3A_131 : i32
      %add3A_132 = arith.constant 1 : i32
      %add3A_133 = arith.addi %while3A_113, %add3A_132 : i32
      scf.yield %add3A_133, %select_n3A : i32, i32
    }
    %mul3A_16 = arith.constant 640 : i32
    %mul3A_17 = arith.muli %arg1, %mul3A_16 : i32
    %dma_start3A_18 = arith.constant 0 : i32
    %dma_start3A_19 = tpu.memref_slice %arg9[%dma_start3A_18] : memref<800xi32, #tpu.memory_space<vmem>> -> memref<640xi32, #tpu.memory_space<vmem>>
    %dma_start3A_20 = tpu.memref_slice %arg10[%mul3A_17] : memref<12800xi32, #tpu.memory_space<vmem_shared>> -> memref<640xi32, #tpu.memory_space<vmem_shared>>
    %dma_start3A_21 = tpu.memref_slice %arg10[%mul3A_17] : memref<12800xi32, #tpu.memory_space<vmem_shared>> -> memref<640xi32, #tpu.memory_space<vmem_shared>>
    %dma_start3A_22 = arith.constant 0 : i32
    %dma_start3A_23 = tpu.memref_slice %arg9[%dma_start3A_22] : memref<800xi32, #tpu.memory_space<vmem>> -> memref<640xi32, #tpu.memory_space<vmem>>
    tpu.enqueue_dma source(%dma_start3A_23 : memref<640xi32, #tpu.memory_space<vmem>>) target(%dma_start3A_21 : memref<640xi32, #tpu.memory_space<vmem_shared>>) target_semaphore(%arg27 : memref<!tpu.dma_semaphore, #tpu.memory_space<semaphore_mem>>)
    %dma_wait3A_24 = tpu.memref_slice %arg2[%mul3A_3] : memref<163840xf32, #tpu.memory_space<hbm>> -> memref<10240xf32, #tpu.memory_space<hbm>>
    %dma_wait3A_25 = tpu.memref_slice %arg2[%mul3A_3] : memref<163840xf32, #tpu.memory_space<hbm>> -> memref<10240xf32, #tpu.memory_space<hbm>>
    tpu.wait_dma2 semaphore(%arg25 : memref<!tpu.dma_semaphore, #tpu.memory_space<semaphore_mem>>) src(%dma_wait3A_25 : memref<10240xf32, #tpu.memory_space<hbm>>) dst(%arg5 : memref<10240xf32, #tpu.memory_space<vmem>>)
    %mul3A_26 = arith.constant 32 : i32
    %mul3A_27 = arith.muli %arg0, %mul3A_26 : i32
    %broadcast_in_dim3A_28 = arith.constant 0 : i32
    %broadcast_in_dim3A_29 = vector.broadcast %broadcast_in_dim3A_28 : i32 to vector<16xi32>
    %scan3A_30 = arith.constant 0 : i32
    %scan3A_31 = arith.constant 32 : i32
    %scan3A_32 = arith.addi %scan3A_30, %scan3A_31 : i32
    %scan3A_33 = arith.constant 1 : i32
    %scan3A_34:10 = scf.for %scan3A_113 = %scan3A_30 to %scan3A_32 step %scan3A_33 iter_args(%scan3A_114 = %broadcast_in_dim3A_29, %scan3A_115 = %broadcast_in_dim3A_29, %scan3A_116 = %broadcast_in_dim3A_29, %scan3A_117 = %broadcast_in_dim3A_29, %scan3A_118 = %broadcast_in_dim3A_29, %scan3A_119 = %broadcast_in_dim3A_29, %scan3A_120 = %broadcast_in_dim3A_29, %scan3A_121 = %broadcast_in_dim3A_29, %scan3A_122 = %broadcast_in_dim3A_29, %scan3A_123 = %broadcast_in_dim3A_29) -> (vector<16xi32>, vector<16xi32>, vector<16xi32>, vector<16xi32>, vector<16xi32>, vector<16xi32>, vector<16xi32>, vector<16xi32>, vector<16xi32>, vector<16xi32>)  : i32 {
      %add3A_124 = arith.addi %mul3A_27, %scan3A_113 : i32
      %mul3A_125 = arith.constant 16 : i32
      %mul3A_126 = arith.muli %add3A_124, %mul3A_125 : i32
      %add3A_127 = vector.broadcast %mul3A_126 : i32 to vector<16xi32>
      %add3A_128 = arith.addi %add3A_127, %iota3A : vector<16xi32>
      %get3A = arith.index_cast %mul3A_126 : i32 to index
      %get3A_129 = tpu.vector_load %arg6[%get3A] {strides = array<i32>} : memref<1024xi32, #tpu.memory_space<vmem>>, vector<16xi32>,
      %mul3A_130 = arith.constant 10 : i32
      %mul3A_131 = vector.broadcast %mul3A_130 : i32 to vector<16xi32>
      %mul3A_132 = arith.muli %add3A_128, %mul3A_131 : vector<16xi32>
      %add3A_133 = arith.constant 0 : i32
      %add3A_134 = vector.broadcast %add3A_133 : i32 to vector<16xi32>
      %add3A_135 = arith.addi %mul3A_132, %add3A_134 : vector<16xi32>
      %gather3A = tpu.vector_load_idx %arg5[%add3A_135] : memref<10240xf32, #tpu.memory_space<vmem>>[vector<16xi32>], vector<16xf32>,
      %add3A_136 = arith.constant 1 : i32
      %add3A_137 = vector.broadcast %add3A_136 : i32 to vector<16xi32>
      %add3A_138 = arith.addi %mul3A_132, %add3A_137 : vector<16xi32>
      %gather3A_139 = tpu.vector_load_idx %arg5[%add3A_138] : memref<10240xf32, #tpu.memory_space<vmem>>[vector<16xi32>], vector<16xf32>,
      %add3A_140 = arith.constant 2 : i32
      %add3A_141 = vector.broadcast %add3A_140 : i32 to vector<16xi32>
      %add3A_142 = arith.addi %mul3A_132, %add3A_141 : vector<16xi32>
      %gather3A_143 = tpu.vector_load_idx %arg5[%add3A_142] : memref<10240xf32, #tpu.memory_space<vmem>>[vector<16xi32>], vector<16xf32>,
      %add3A_144 = arith.constant 3 : i32
      %add3A_145 = vector.broadcast %add3A_144 : i32 to vector<16xi32>
      %add3A_146 = arith.addi %mul3A_132, %add3A_145 : vector<16xi32>
      %gather3A_147 = tpu.vector_load_idx %arg5[%add3A_146] : memref<10240xf32, #tpu.memory_space<vmem>>[vector<16xi32>], vector<16xf32>,
      %add3A_148 = arith.constant 4 : i32
      %add3A_149 = vector.broadcast %add3A_148 : i32 to vector<16xi32>
      %add3A_150 = arith.addi %mul3A_132, %add3A_149 : vector<16xi32>
      %gather3A_151 = tpu.vector_load_idx %arg5[%add3A_150] : memref<10240xf32, #tpu.memory_space<vmem>>[vector<16xi32>], vector<16xf32>,
      %add3A_152 = arith.constant 5 : i32
      %add3A_153 = vector.broadcast %add3A_152 : i32 to vector<16xi32>
      %add3A_154 = arith.addi %mul3A_132, %add3A_153 : vector<16xi32>
      %gather3A_155 = tpu.vector_load_idx %arg5[%add3A_154] : memref<10240xf32, #tpu.memory_space<vmem>>[vector<16xi32>], vector<16xf32>,
      %add3A_156 = arith.constant 6 : i32
      %add3A_157 = vector.broadcast %add3A_156 : i32 to vector<16xi32>
      %add3A_158 = arith.addi %mul3A_132, %add3A_157 : vector<16xi32>
      %gather3A_159 = tpu.vector_load_idx %arg5[%add3A_158] : memref<10240xf32, #tpu.memory_space<vmem>>[vector<16xi32>], vector<16xf32>,
      %add3A_160 = arith.constant 7 : i32
      %add3A_161 = vector.broadcast %add3A_160 : i32 to vector<16xi32>
      %add3A_162 = arith.addi %mul3A_132, %add3A_161 : vector<16xi32>
      %gather3A_163 = tpu.vector_load_idx %arg5[%add3A_162] : memref<10240xf32, #tpu.memory_space<vmem>>[vector<16xi32>], vector<16xf32>,
      %add3A_164 = arith.constant 8 : i32
      %add3A_165 = vector.broadcast %add3A_164 : i32 to vector<16xi32>
      %add3A_166 = arith.addi %mul3A_132, %add3A_165 : vector<16xi32>
      %gather3A_167 = tpu.vector_load_idx %arg5[%add3A_166] : memref<10240xf32, #tpu.memory_space<vmem>>[vector<16xi32>], vector<16xf32>,
      %add3A_168 = arith.constant 9 : i32
      %add3A_169 = vector.broadcast %add3A_168 : i32 to vector<16xi32>
      %add3A_170 = arith.addi %mul3A_132, %add3A_169 : vector<16xi32>
      %gather3A_171 = tpu.vector_load_idx %arg5[%add3A_170] : memref<10240xf32, #tpu.memory_space<vmem>>[vector<16xi32>], vector<16xf32>,
      %max3A = arith.maximumf %gather3A, %gather3A_139 : vector<16xf32>
      %max3A_172 = arith.maximumf %gather3A_143, %gather3A_147 : vector<16xf32>
      %max3A_173 = arith.maximumf %gather3A_151, %gather3A_155 : vector<16xf32>
      %max3A_174 = arith.maximumf %gather3A_159, %gather3A_163 : vector<16xf32>
      %max3A_175 = arith.maximumf %gather3A_167, %gather3A_171 : vector<16xf32>
      %max3A_176 = arith.maximumf %max3A, %max3A_172 : vector<16xf32>
      %max3A_177 = arith.maximumf %max3A_173, %max3A_174 : vector<16xf32>
      %max3A_178 = arith.maximumf %max3A_176, %max3A_177 : vector<16xf32>
      %max3A_179 = arith.maximumf %max3A_178, %max3A_175 : vector<16xf32>
      %sub3A_180 = arith.subf %gather3A, %max3A_179 : vector<16xf32>
      %exp3A = math.exp %sub3A_180 : vector<16xf32>
      %sub3A_181 = arith.subf %gather3A_139, %max3A_179 : vector<16xf32>
      %exp3A_182 = math.exp %sub3A_181 : vector<16xf32>
      %sub3A_183 = arith.subf %gather3A_143, %max3A_179 : vector<16xf32>
      %exp3A_184 = math.exp %sub3A_183 : vector<16xf32>
      %sub3A_185 = arith.subf %gather3A_147, %max3A_179 : vector<16xf32>
      %exp3A_186 = math.exp %sub3A_185 : vector<16xf32>
      %sub3A_187 = arith.subf %gather3A_151, %max3A_179 : vector<16xf32>
      %exp3A_188 = math.exp %sub3A_187 : vector<16xf32>
      %sub3A_189 = arith.subf %gather3A_155, %max3A_179 : vector<16xf32>
      %exp3A_190 = math.exp %sub3A_189 : vector<16xf32>
      %sub3A_191 = arith.subf %gather3A_159, %max3A_179 : vector<16xf32>
      %exp3A_192 = math.exp %sub3A_191 : vector<16xf32>
      %sub3A_193 = arith.subf %gather3A_163, %max3A_179 : vector<16xf32>
      %exp3A_194 = math.exp %sub3A_193 : vector<16xf32>
      %sub3A_195 = arith.subf %gather3A_167, %max3A_179 : vector<16xf32>
      %exp3A_196 = math.exp %sub3A_195 : vector<16xf32>
      %sub3A_197 = arith.subf %gather3A_171, %max3A_179 : vector<16xf32>
      %exp3A_198 = math.exp %sub3A_197 : vector<16xf32>
      %add3A_199 = arith.addf %exp3A, %exp3A_182 : vector<16xf32>
      %add3A_200 = arith.addf %exp3A_184, %exp3A_186 : vector<16xf32>
      %add3A_201 = arith.addf %exp3A_188, %exp3A_190 : vector<16xf32>
      %add3A_202 = arith.addf %exp3A_192, %exp3A_194 : vector<16xf32>
      %add3A_203 = arith.addf %exp3A_196, %exp3A_198 : vector<16xf32>
      %add3A_204 = arith.addf %add3A_199, %add3A_200 : vector<16xf32>
      %add3A_205 = arith.addf %add3A_201, %add3A_202 : vector<16xf32>
      %add3A_206 = arith.addf %add3A_204, %add3A_205 : vector<16xf32>
      %add3A_207 = arith.addf %add3A_206, %add3A_203 : vector<16xf32>
      %eq3A_208 = arith.constant 0 : i32
      %eq3A_209 = vector.broadcast %eq3A_208 : i32 to vector<16xi32>
      %eq3A_210 = arith.cmpi eq, %get3A_129, %eq3A_209 : vector<16xi32>
      %eq3A_211 = arith.constant 1 : i32
      %eq3A_212 = vector.broadcast %eq3A_211 : i32 to vector<16xi32>
      %eq3A_213 = arith.cmpi eq, %get3A_129, %eq3A_212 : vector<16xi32>
      %eq3A_214 = arith.constant 2 : i32
      %eq3A_215 = vector.broadcast %eq3A_214 : i32 to vector<16xi32>
      %eq3A_216 = arith.cmpi eq, %get3A_129, %eq3A_215 : vector<16xi32>
      %eq3A_217 = arith.constant 3 : i32
      %eq3A_218 = vector.broadcast %eq3A_217 : i32 to vector<16xi32>
      %eq3A_219 = arith.cmpi eq, %get3A_129, %eq3A_218 : vector<16xi32>
      %eq3A_220 = arith.constant 4 : i32
      %eq3A_221 = vector.broadcast %eq3A_220 : i32 to vector<16xi32>
      %eq3A_222 = arith.cmpi eq, %get3A_129, %eq3A_221 : vector<16xi32>
      %eq3A_223 = arith.constant 5 : i32
      %eq3A_224 = vector.broadcast %eq3A_223 : i32 to vector<16xi32>
      %eq3A_225 = arith.cmpi eq, %get3A_129, %eq3A_224 : vector<16xi32>
      %eq3A_226 = arith.constant 6 : i32
      %eq3A_227 = vector.broadcast %eq3A_226 : i32 to vector<16xi32>
      %eq3A_228 = arith.cmpi eq, %get3A_129, %eq3A_227 : vector<16xi32>
      %eq3A_229 = arith.constant 7 : i32
      %eq3A_230 = vector.broadcast %eq3A_229 : i32 to vector<16xi32>
      %eq3A_231 = arith.cmpi eq, %get3A_129, %eq3A_230 : vector<16xi32>
      %eq3A_232 = arith.constant 8 : i32
      %eq3A_233 = vector.broadcast %eq3A_232 : i32 to vector<16xi32>
      %eq3A_234 = arith.cmpi eq, %get3A_129, %eq3A_233 : vector<16xi32>
      %eq3A_235 = arith.constant 9 : i32
      %eq3A_236 = vector.broadcast %eq3A_235 : i32 to vector<16xi32>
      %eq3A_237 = arith.cmpi eq, %get3A_129, %eq3A_236 : vector<16xi32>
      %broadcast_in_dim3A_238 = arith.constant 0.000000e+00 : f32
      %broadcast_in_dim3A_239 = vector.broadcast %broadcast_in_dim3A_238 : f32 to vector<16xf32>
      %select_n3A = arith.select %eq3A_210, %gather3A, %broadcast_in_dim3A_239 : vector<16xi1>, vector<16xf32>
      %select_n3A_240 = arith.select %eq3A_213, %gather3A_139, %broadcast_in_dim3A_239 : vector<16xi1>, vector<16xf32>
      %select_n3A_241 = arith.select %eq3A_216, %gather3A_143, %broadcast_in_dim3A_239 : vector<16xi1>, vector<16xf32>
      %select_n3A_242 = arith.select %eq3A_219, %gather3A_147, %broadcast_in_dim3A_239 : vector<16xi1>, vector<16xf32>
      %select_n3A_243 = arith.select %eq3A_222, %gather3A_151, %broadcast_in_dim3A_239 : vector<16xi1>, vector<16xf32>
      %select_n3A_244 = arith.select %eq3A_225, %gather3A_155, %broadcast_in_dim3A_239 : vector<16xi1>, vector<16xf32>
      %select_n3A_245 = arith.select %eq3A_228, %gather3A_159, %broadcast_in_dim3A_239 : vector<16xi1>, vector<16xf32>
      %select_n3A_246 = arith.select %eq3A_231, %gather3A_163, %broadcast_in_dim3A_239 : vector<16xi1>, vector<16xf32>
      %select_n3A_247 = arith.select %eq3A_234, %gather3A_167, %broadcast_in_dim3A_239 : vector<16xi1>, vector<16xf32>
      %select_n3A_248 = arith.select %eq3A_237, %gather3A_171, %broadcast_in_dim3A_239 : vector<16xi1>, vector<16xf32>
      %add3A_249 = arith.addf %select_n3A, %select_n3A_240 : vector<16xf32>
      %add3A_250 = arith.addf %select_n3A_241, %select_n3A_242 : vector<16xf32>
      %add3A_251 = arith.addf %select_n3A_243, %select_n3A_244 : vector<16xf32>
      %add3A_252 = arith.addf %select_n3A_245, %select_n3A_246 : vector<16xf32>
      %add3A_253 = arith.addf %select_n3A_247, %select_n3A_248 : vector<16xf32>
      %add3A_254 = arith.addf %add3A_249, %add3A_250 : vector<16xf32>
      %add3A_255 = arith.addf %add3A_251, %add3A_252 : vector<16xf32>
      %add3A_256 = arith.addf %add3A_254, %add3A_255 : vector<16xf32>
      %add3A_257 = arith.addf %add3A_256, %add3A_253 : vector<16xf32>
      %convert_element_type3A_258 = arith.extui %eq3A_210 : vector<16xi1> to vector<16xi32>
      %add3A_259 = arith.addi %scan3A_114, %convert_element_type3A_258 : vector<16xi32>
      %convert_element_type3A_260 = arith.extui %eq3A_213 : vector<16xi1> to vector<16xi32>
      %add3A_261 = arith.addi %scan3A_115, %convert_element_type3A_260 : vector<16xi32>
      %convert_element_type3A_262 = arith.extui %eq3A_216 : vector<16xi1> to vector<16xi32>
      %add3A_263 = arith.addi %scan3A_116, %convert_element_type3A_262 : vector<16xi32>
      %convert_element_type3A_264 = arith.extui %eq3A_219 : vector<16xi1> to vector<16xi32>
      %add3A_265 = arith.addi %scan3A_117, %convert_element_type3A_264 : vector<16xi32>
      %convert_element_type3A_266 = arith.extui %eq3A_222 : vector<16xi1> to vector<16xi32>
      %add3A_267 = arith.addi %scan3A_118, %convert_element_type3A_266 : vector<16xi32>
      %convert_element_type3A_268 = arith.extui %eq3A_225 : vector<16xi1> to vector<16xi32>
      %add3A_269 = arith.addi %scan3A_119, %convert_element_type3A_268 : vector<16xi32>
      %convert_element_type3A_270 = arith.extui %eq3A_228 : vector<16xi1> to vector<16xi32>
      %add3A_271 = arith.addi %scan3A_120, %convert_element_type3A_270 : vector<16xi32>
      %convert_element_type3A_272 = arith.extui %eq3A_231 : vector<16xi1> to vector<16xi32>
      %add3A_273 = arith.addi %scan3A_121, %convert_element_type3A_272 : vector<16xi32>
      %convert_element_type3A_274 = arith.extui %eq3A_234 : vector<16xi1> to vector<16xi32>
      %add3A_275 = arith.addi %scan3A_122, %convert_element_type3A_274 : vector<16xi32>
      %convert_element_type3A_276 = arith.extui %eq3A_237 : vector<16xi1> to vector<16xi32>
      %add3A_277 = arith.addi %scan3A_123, %convert_element_type3A_276 : vector<16xi32>
      %sub3A_278 = arith.subf %add3A_257, %max3A_179 : vector<16xf32>
      %exp3A_279 = math.exp %sub3A_278 : vector<16xf32>
      %mul3A_280 = arith.constant 0.899999976 : f32
      %mul3A_281 = vector.broadcast %mul3A_280 : f32 to vector<16xf32>
      %mul3A_282 = arith.mulf %mul3A_281, %add3A_207 : vector<16xf32>
      %gt3A = arith.cmpf ogt, %exp3A_279, %mul3A_282 : vector<16xf32>
      %jit3A = arith.constant 1.000000e+00 : f32
      %jit3A_283 = arith.constant 0.000000e+00 : f32
      %broadcast_in_dim3A_284 = vector.broadcast %jit3A : f32 to vector<16xf32>
      %broadcast_in_dim3A_285 = vector.broadcast %jit3A_283 : f32 to vector<16xf32>
      %select_n3A_286 = arith.select %gt3A, %broadcast_in_dim3A_284, %broadcast_in_dim3A_285 : vector<16xi1>, vector<16xf32>
      %swap3A_287 = arith.index_cast %mul3A_126 : i32 to index
      %swap3A_288 = tpu.vector_load %arg7[%swap3A_287] {strides = array<i32>} : memref<1024xf32, #tpu.memory_space<vmem>>, vector<16xf32>,
      tpu.vector_store %arg7[%swap3A_287], %add3A_257 {strides = array<i32>} : memref<1024xf32, #tpu.memory_space<vmem>>, vector<16xf32>,
      %swap3A_289 = arith.index_cast %mul3A_126 : i32 to index
      %swap3A_290 = tpu.vector_load %arg8[%swap3A_289] {strides = array<i32>} : memref<1024xf32, #tpu.memory_space<vmem>>, vector<16xf32>,
      tpu.vector_store %arg8[%swap3A_289], %select_n3A_286 {strides = array<i32>} : memref<1024xf32, #tpu.memory_space<vmem>>, vector<16xf32>,
      scf.yield %add3A_259, %add3A_261, %add3A_263, %add3A_265, %add3A_267, %add3A_269, %add3A_271, %add3A_273, %add3A_275, %add3A_277 : vector<16xi32>, vector<16xi32>, vector<16xi32>, vector<16xi32>, vector<16xi32>, vector<16xi32>, vector<16xi32>, vector<16xi32>, vector<16xi32>, vector<16xi32>
    }
    %scan3A_35 = arith.constant 32 : i32
    %sub3A = arith.constant 32 : i32
    %sub3A_36 = arith.subi %sub3A, %mul3A_27 : i32
    %scan3A_37 = arith.constant 0 : i32
    %scan3A_38 = arith.constant 32 : i32
    %scan3A_39 = arith.addi %scan3A_37, %scan3A_38 : i32
    %scan3A_40 = arith.constant 1 : i32
    %scan3A_41:10 = scf.for %scan3A_113 = %scan3A_37 to %scan3A_39 step %scan3A_40 iter_args(%scan3A_114 = %scan3A_34#0, %scan3A_115 = %scan3A_34#1, %scan3A_116 = %scan3A_34#2, %scan3A_117 = %scan3A_34#3, %scan3A_118 = %scan3A_34#4, %scan3A_119 = %scan3A_34#5, %scan3A_120 = %scan3A_34#6, %scan3A_121 = %scan3A_34#7, %scan3A_122 = %scan3A_34#8, %scan3A_123 = %scan3A_34#9) -> (vector<16xi32>, vector<16xi32>, vector<16xi32>, vector<16xi32>, vector<16xi32>, vector<16xi32>, vector<16xi32>, vector<16xi32>, vector<16xi32>, vector<16xi32>)  : i32 {
      %add3A_124 = arith.addi %sub3A_36, %scan3A_113 : i32
      %mul3A_125 = arith.constant 16 : i32
      %mul3A_126 = arith.muli %add3A_124, %mul3A_125 : i32
      %get3A = arith.index_cast %mul3A_126 : i32 to index
      %get3A_127 = tpu.vector_load %arg6[%get3A] {strides = array<i32>} : memref<1024xi32, #tpu.memory_space<vmem>>, vector<16xi32>,
      %eq3A_128 = arith.constant 0 : i32
      %eq3A_129 = vector.broadcast %eq3A_128 : i32 to vector<16xi32>
      %eq3A_130 = arith.cmpi eq, %get3A_127, %eq3A_129 : vector<16xi32>
      %convert_element_type3A_131 = arith.extui %eq3A_130 : vector<16xi1> to vector<16xi32>
      %add3A_132 = arith.addi %scan3A_114, %convert_element_type3A_131 : vector<16xi32>
      %eq3A_133 = arith.constant 1 : i32
      %eq3A_134 = vector.broadcast %eq3A_133 : i32 to vector<16xi32>
      %eq3A_135 = arith.cmpi eq, %get3A_127, %eq3A_134 : vector<16xi32>
      %convert_element_type3A_136 = arith.extui %eq3A_135 : vector<16xi1> to vector<16xi32>
      %add3A_137 = arith.addi %scan3A_115, %convert_element_type3A_136 : vector<16xi32>
      %eq3A_138 = arith.constant 2 : i32
      %eq3A_139 = vector.broadcast %eq3A_138 : i32 to vector<16xi32>
      %eq3A_140 = arith.cmpi eq, %get3A_127, %eq3A_139 : vector<16xi32>
      %convert_element_type3A_141 = arith.extui %eq3A_140 : vector<16xi1> to vector<16xi32>
      %add3A_142 = arith.addi %scan3A_116, %convert_element_type3A_141 : vector<16xi32>
      %eq3A_143 = arith.constant 3 : i32
      %eq3A_144 = vector.broadcast %eq3A_143 : i32 to vector<16xi32>
      %eq3A_145 = arith.cmpi eq, %get3A_127, %eq3A_144 : vector<16xi32>
      %convert_element_type3A_146 = arith.extui %eq3A_145 : vector<16xi1> to vector<16xi32>
      %add3A_147 = arith.addi %scan3A_117, %convert_element_type3A_146 : vector<16xi32>
      %eq3A_148 = arith.constant 4 : i32
      %eq3A_149 = vector.broadcast %eq3A_148 : i32 to vector<16xi32>
      %eq3A_150 = arith.cmpi eq, %get3A_127, %eq3A_149 : vector<16xi32>
      %convert_element_type3A_151 = arith.extui %eq3A_150 : vector<16xi1> to vector<16xi32>
      %add3A_152 = arith.addi %scan3A_118, %convert_element_type3A_151 : vector<16xi32>
      %eq3A_153 = arith.constant 5 : i32
      %eq3A_154 = vector.broadcast %eq3A_153 : i32 to vector<16xi32>
      %eq3A_155 = arith.cmpi eq, %get3A_127, %eq3A_154 : vector<16xi32>
      %convert_element_type3A_156 = arith.extui %eq3A_155 : vector<16xi1> to vector<16xi32>
      %add3A_157 = arith.addi %scan3A_119, %convert_element_type3A_156 : vector<16xi32>
      %eq3A_158 = arith.constant 6 : i32
      %eq3A_159 = vector.broadcast %eq3A_158 : i32 to vector<16xi32>
      %eq3A_160 = arith.cmpi eq, %get3A_127, %eq3A_159 : vector<16xi32>
      %convert_element_type3A_161 = arith.extui %eq3A_160 : vector<16xi1> to vector<16xi32>
      %add3A_162 = arith.addi %scan3A_120, %convert_element_type3A_161 : vector<16xi32>
      %eq3A_163 = arith.constant 7 : i32
      %eq3A_164 = vector.broadcast %eq3A_163 : i32 to vector<16xi32>
      %eq3A_165 = arith.cmpi eq, %get3A_127, %eq3A_164 : vector<16xi32>
      %convert_element_type3A_166 = arith.extui %eq3A_165 : vector<16xi1> to vector<16xi32>
      %add3A_167 = arith.addi %scan3A_121, %convert_element_type3A_166 : vector<16xi32>
      %eq3A_168 = arith.constant 8 : i32
      %eq3A_169 = vector.broadcast %eq3A_168 : i32 to vector<16xi32>
      %eq3A_170 = arith.cmpi eq, %get3A_127, %eq3A_169 : vector<16xi32>
      %convert_element_type3A_171 = arith.extui %eq3A_170 : vector<16xi1> to vector<16xi32>
      %add3A_172 = arith.addi %scan3A_122, %convert_element_type3A_171 : vector<16xi32>
      %eq3A_173 = arith.constant 9 : i32
      %eq3A_174 = vector.broadcast %eq3A_173 : i32 to vector<16xi32>
      %eq3A_175 = arith.cmpi eq, %get3A_127, %eq3A_174 : vector<16xi32>
      %convert_element_type3A_176 = arith.extui %eq3A_175 : vector<16xi1> to vector<16xi32>
      %add3A_177 = arith.addi %scan3A_123, %convert_element_type3A_176 : vector<16xi32>
      scf.yield %add3A_132, %add3A_137, %add3A_142, %add3A_147, %add3A_152, %add3A_157, %add3A_162, %add3A_167, %add3A_172, %add3A_177 : vector<16xi32>, vector<16xi32>, vector<16xi32>, vector<16xi32>, vector<16xi32>, vector<16xi32>, vector<16xi32>, vector<16xi32>, vector<16xi32>, vector<16xi32>
    }
    %scan3A_42 = arith.constant 32 : i32
    %swap3A = arith.constant 640 : index
    %swap3A_43 = tpu.vector_load %arg9[%swap3A] {strides = array<i32>} : memref<800xi32, #tpu.memory_space<vmem>>, vector<16xi32>,
    tpu.vector_store %arg9[%swap3A], %scan3A_41#0 {strides = array<i32>} : memref<800xi32, #tpu.memory_space<vmem>>, vector<16xi32>,
    %swap3A_44 = arith.constant 656 : index
    %swap3A_45 = tpu.vector_load %arg9[%swap3A_44] {strides = array<i32>} : memref<800xi32, #tpu.memory_space<vmem>>, vector<16xi32>,
    tpu.vector_store %arg9[%swap3A_44], %scan3A_41#1 {strides = array<i32>} : memref<800xi32, #tpu.memory_space<vmem>>, vector<16xi32>,
    %swap3A_46 = arith.constant 672 : index
    %swap3A_47 = tpu.vector_load %arg9[%swap3A_46] {strides = array<i32>} : memref<800xi32, #tpu.memory_space<vmem>>, vector<16xi32>,
    tpu.vector_store %arg9[%swap3A_46], %scan3A_41#2 {strides = array<i32>} : memref<800xi32, #tpu.memory_space<vmem>>, vector<16xi32>,
    %swap3A_48 = arith.constant 688 : index
    %swap3A_49 = tpu.vector_load %arg9[%swap3A_48] {strides = array<i32>} : memref<800xi32, #tpu.memory_space<vmem>>, vector<16xi32>,
    tpu.vector_store %arg9[%swap3A_48], %scan3A_41#3 {strides = array<i32>} : memref<800xi32, #tpu.memory_space<vmem>>, vector<16xi32>,
    %swap3A_50 = arith.constant 704 : index
    %swap3A_51 = tpu.vector_load %arg9[%swap3A_50] {strides = array<i32>} : memref<800xi32, #tpu.memory_space<vmem>>, vector<16xi32>,
    tpu.vector_store %arg9[%swap3A_50], %scan3A_41#4 {strides = array<i32>} : memref<800xi32, #tpu.memory_space<vmem>>, vector<16xi32>,
    %swap3A_52 = arith.constant 720 : index
    %swap3A_53 = tpu.vector_load %arg9[%swap3A_52] {strides = array<i32>} : memref<800xi32, #tpu.memory_space<vmem>>, vector<16xi32>,
    tpu.vector_store %arg9[%swap3A_52], %scan3A_41#5 {strides = array<i32>} : memref<800xi32, #tpu.memory_space<vmem>>, vector<16xi32>,
    %swap3A_54 = arith.constant 736 : index
    %swap3A_55 = tpu.vector_load %arg9[%swap3A_54] {strides = array<i32>} : memref<800xi32, #tpu.memory_space<vmem>>, vector<16xi32>,
    tpu.vector_store %arg9[%swap3A_54], %scan3A_41#6 {strides = array<i32>} : memref<800xi32, #tpu.memory_space<vmem>>, vector<16xi32>,
    %swap3A_56 = arith.constant 752 : index
    %swap3A_57 = tpu.vector_load %arg9[%swap3A_56] {strides = array<i32>} : memref<800xi32, #tpu.memory_space<vmem>>, vector<16xi32>,
    tpu.vector_store %arg9[%swap3A_56], %scan3A_41#7 {strides = array<i32>} : memref<800xi32, #tpu.memory_space<vmem>>, vector<16xi32>,
    %swap3A_58 = arith.constant 768 : index
    %swap3A_59 = tpu.vector_load %arg9[%swap3A_58] {strides = array<i32>} : memref<800xi32, #tpu.memory_space<vmem>>, vector<16xi32>,
    tpu.vector_store %arg9[%swap3A_58], %scan3A_41#8 {strides = array<i32>} : memref<800xi32, #tpu.memory_space<vmem>>, vector<16xi32>,
    %swap3A_60 = arith.constant 784 : index
    %swap3A_61 = tpu.vector_load %arg9[%swap3A_60] {strides = array<i32>} : memref<800xi32, #tpu.memory_space<vmem>>, vector<16xi32>,
    tpu.vector_store %arg9[%swap3A_60], %scan3A_41#9 {strides = array<i32>} : memref<800xi32, #tpu.memory_space<vmem>>, vector<16xi32>,
    %mul3A_62 = arith.constant 160 : i32
    %mul3A_63 = arith.muli %arg1, %mul3A_62 : i32
    %add3A = arith.constant 10240 : i32
    %add3A_64 = arith.addi %add3A, %mul3A_63 : i32
    %dma_start3A_65 = arith.constant 640 : i32
    %dma_start3A_66 = tpu.memref_slice %arg9[%dma_start3A_65] : memref<800xi32, #tpu.memory_space<vmem>> -> memref<160xi32, #tpu.memory_space<vmem>>
    %dma_start3A_67 = tpu.memref_slice %arg10[%add3A_64] : memref<12800xi32, #tpu.memory_space<vmem_shared>> -> memref<160xi32, #tpu.memory_space<vmem_shared>>
    %dma_start3A_68 = tpu.memref_slice %arg10[%add3A_64] : memref<12800xi32, #tpu.memory_space<vmem_shared>> -> memref<160xi32, #tpu.memory_space<vmem_shared>>
    %dma_start3A_69 = arith.constant 640 : i32
    %dma_start3A_70 = tpu.memref_slice %arg9[%dma_start3A_69] : memref<800xi32, #tpu.memory_space<vmem>> -> memref<160xi32, #tpu.memory_space<vmem>>
    tpu.enqueue_dma source(%dma_start3A_70 : memref<160xi32, #tpu.memory_space<vmem>>) target(%dma_start3A_68 : memref<160xi32, #tpu.memory_space<vmem_shared>>) target_semaphore(%arg27 : memref<!tpu.dma_semaphore, #tpu.memory_space<semaphore_mem>>)
    %dma_wait3A_71 = arith.constant 0 : i32
    %dma_wait3A_72 = tpu.memref_slice %arg9[%dma_wait3A_71] : memref<800xi32, #tpu.memory_space<vmem>> -> memref<640xi32, #tpu.memory_space<vmem>>
    %dma_wait3A_73 = tpu.memref_slice %arg10[%mul3A_17] : memref<12800xi32, #tpu.memory_space<vmem_shared>> -> memref<640xi32, #tpu.memory_space<vmem_shared>>
    %dma_wait3A_74 = tpu.memref_slice %arg10[%mul3A_17] : memref<12800xi32, #tpu.memory_space<vmem_shared>> -> memref<640xi32, #tpu.memory_space<vmem_shared>>
    %dma_wait3A_75 = arith.constant 0 : i32
    %dma_wait3A_76 = tpu.memref_slice %arg9[%dma_wait3A_75] : memref<800xi32, #tpu.memory_space<vmem>> -> memref<640xi32, #tpu.memory_space<vmem>>
    tpu.wait_dma2 semaphore(%arg27 : memref<!tpu.dma_semaphore, #tpu.memory_space<semaphore_mem>>) src(%dma_wait3A_76 : memref<640xi32, #tpu.memory_space<vmem>>) dst(%dma_wait3A_74 : memref<640xi32, #tpu.memory_space<vmem_shared>>)
    %dma_wait3A_77 = arith.constant 640 : i32
    %dma_wait3A_78 = tpu.memref_slice %arg9[%dma_wait3A_77] : memref<800xi32, #tpu.memory_space<vmem>> -> memref<160xi32, #tpu.memory_space<vmem>>
    %dma_wait3A_79 = tpu.memref_slice %arg10[%add3A_64] : memref<12800xi32, #tpu.memory_space<vmem_shared>> -> memref<160xi32, #tpu.memory_space<vmem_shared>>
    %dma_wait3A_80 = tpu.memref_slice %arg10[%add3A_64] : memref<12800xi32, #tpu.memory_space<vmem_shared>> -> memref<160xi32, #tpu.memory_space<vmem_shared>>
    %dma_wait3A_81 = arith.constant 640 : i32
    %dma_wait3A_82 = tpu.memref_slice %arg9[%dma_wait3A_81] : memref<800xi32, #tpu.memory_space<vmem>> -> memref<160xi32, #tpu.memory_space<vmem>>
    tpu.wait_dma2 semaphore(%arg27 : memref<!tpu.dma_semaphore, #tpu.memory_space<semaphore_mem>>) src(%dma_wait3A_82 : memref<160xi32, #tpu.memory_space<vmem>>) dst(%dma_wait3A_80 : memref<160xi32, #tpu.memory_space<vmem_shared>>)
    %barrier3A = arith.constant 0 : index
    tpu.barrier barrier_id(%barrier3A)
    %lt3A = arith.constant 10 : i32
    %lt3A_83 = arith.cmpi slt, %arg1, %lt3A : i32
    %convert_element_type3A = arith.extui %lt3A_83 : i1 to i32
    %cond3A = arith.constant 0 : i32
    %cond3A_84 = arith.cmpi ne, %convert_element_type3A, %cond3A : i32
    scf.if %cond3A_84 {
      %scan3A_113 = arith.constant 0 : i32
      %scan3A_114 = arith.constant 0 : i32
      %scan3A_115 = arith.constant 16 : i32
      %scan3A_116 = arith.addi %scan3A_114, %scan3A_115 : i32
      %scan3A_117 = arith.constant 1 : i32
      %scan3A_118 = scf.for %scan3A_237 = %scan3A_114 to %scan3A_116 step %scan3A_117 iter_args(%scan3A_238 = %scan3A_113) -> (i32)  : i32 {
        %mul3A_239 = arith.constant 640 : i32
        %mul3A_240 = arith.muli %scan3A_237, %mul3A_239 : i32
        %mul3A_241 = arith.constant 64 : i32
        %mul3A_242 = arith.muli %arg1, %mul3A_241 : i32
        %add3A_243 = arith.addi %mul3A_240, %mul3A_242 : i32
        %mul3A_244 = arith.constant 64 : i32
        %mul3A_245 = arith.muli %scan3A_237, %mul3A_244 : i32
        %dma_start3A_246 = tpu.memref_slice %arg11[%mul3A_245] : memref<1024xi32, #tpu.memory_space<vmem>> -> memref<64xi32, #tpu.memory_space<vmem>>
        %dma_start3A_247 = tpu.memref_slice %arg10[%add3A_243] : memref<12800xi32, #tpu.memory_space<vmem_shared>> -> memref<64xi32, #tpu.memory_space<vmem_shared>>
        %dma_start3A_248 = tpu.memref_slice %arg11[%mul3A_245] : memref<1024xi32, #tpu.memory_space<vmem>> -> memref<64xi32, #tpu.memory_space<vmem>>
        %dma_start3A_249 = tpu.memref_slice %arg10[%add3A_243] : memref<12800xi32, #tpu.memory_space<vmem_shared>> -> memref<64xi32, #tpu.memory_space<vmem_shared>>
        tpu.enqueue_dma source(%dma_start3A_249 : memref<64xi32, #tpu.memory_space<vmem_shared>>) target(%dma_start3A_248 : memref<64xi32, #tpu.memory_space<vmem>>) target_semaphore(%arg28 : memref<!tpu.dma_semaphore, #tpu.memory_space<semaphore_mem>>)
        %scan3A_250 = arith.constant 0 : i32
        scf.yield %scan3A_250 : i32
      }
      %scan3A_119 = arith.constant 16 : i32
      "tpu.region"() ({
        %run_scoped3A = tpu.sem_alloc : memref<!tpu.dma_semaphore, #tpu.memory_space<semaphore_mem>>
        %dma_start3A_237 = arith.constant 10240 : i32
        %dma_start3A_238 = tpu.memref_slice %arg10[%dma_start3A_237] : memref<12800xi32, #tpu.memory_space<vmem_shared>> -> memref<2560xi32, #tpu.memory_space<vmem_shared>>
        %dma_start3A_239 = arith.constant 10240 : i32
        %dma_start3A_240 = tpu.memref_slice %arg10[%dma_start3A_239] : memref<12800xi32, #tpu.memory_space<vmem_shared>> -> memref<2560xi32, #tpu.memory_space<vmem_shared>>
        tpu.enqueue_dma source(%dma_start3A_240 : memref<2560xi32, #tpu.memory_space<vmem_shared>>) target(%arg12 : memref<2560xi32, #tpu.memory_space<vmem>>) target_semaphore(%run_scoped3A : memref<!tpu.dma_semaphore, #tpu.memory_space<semaphore_mem>>)
        %dma_wait3A_241 = arith.constant 10240 : i32
        %dma_wait3A_242 = tpu.memref_slice %arg10[%dma_wait3A_241] : memref<12800xi32, #tpu.memory_space<vmem_shared>> -> memref<2560xi32, #tpu.memory_space<vmem_shared>>
        %dma_wait3A_243 = arith.constant 10240 : i32
        %dma_wait3A_244 = tpu.memref_slice %arg10[%dma_wait3A_243] : memref<12800xi32, #tpu.memory_space<vmem_shared>> -> memref<2560xi32, #tpu.memory_space<vmem_shared>>
        tpu.wait_dma2 semaphore(%run_scoped3A : memref<!tpu.dma_semaphore, #tpu.memory_space<semaphore_mem>>) src(%dma_wait3A_244 : memref<2560xi32, #tpu.memory_space<vmem_shared>>) dst(%arg12 : memref<2560xi32, #tpu.memory_space<vmem>>)
        tpu.yield
      }) : () -> ()
      %dma_wait3A_120 = arith.constant 0 : i32
      %dma_wait3A_121 = tpu.memref_slice %arg2[%dma_wait3A_120] : memref<163840xf32, #tpu.memory_space<hbm>> -> memref<1024xf32, #tpu.memory_space<hbm>>
      %dma_wait3A_122 = arith.constant 0 : i32
      %dma_wait3A_123 = tpu.memref_slice %arg2[%dma_wait3A_122] : memref<163840xf32, #tpu.memory_space<hbm>> -> memref<1024xf32, #tpu.memory_space<hbm>>
      tpu.wait_dma2 semaphore(%arg28 : memref<!tpu.dma_semaphore, #tpu.memory_space<semaphore_mem>>) src(%dma_wait3A_123 : memref<1024xf32, #tpu.memory_space<hbm>>) dst(%arg11 : memref<1024xi32, #tpu.memory_space<vmem>>)
      %mul3A_124 = arith.constant 16 : i32
      %mul3A_125 = arith.muli %arg1, %mul3A_124 : i32
      %get3A = arith.index_cast %mul3A_125 : i32 to index
      %get3A_126 = tpu.vector_load %arg12[%get3A] {strides = array<i32>} : memref<2560xi32, #tpu.memory_space<vmem>>, vector<16xi32>,
      %scan3A_127 = arith.constant 1 : i32
      %scan3A_128 = arith.constant 15 : i32
      %scan3A_129 = arith.addi %scan3A_127, %scan3A_128 : i32
      %scan3A_130 = arith.constant 1 : i32
      %scan3A_131 = scf.for %scan3A_237 = %scan3A_127 to %scan3A_129 step %scan3A_130 iter_args(%scan3A_238 = %get3A_126) -> (vector<16xi32>)  : i32 {
        %mul3A_239 = arith.constant 160 : i32
        %mul3A_240 = arith.muli %scan3A_237, %mul3A_239 : i32
        %add3A_241 = arith.addi %mul3A_240, %mul3A_125 : i32
        %get3A_242 = arith.index_cast %add3A_241 : i32 to index
        %get3A_243 = tpu.vector_load %arg12[%get3A_242] {strides = array<i32>} : memref<2560xi32, #tpu.memory_space<vmem>>, vector<16xi32>,
        %add3A_244 = arith.addi %scan3A_238, %get3A_243 : vector<16xi32>
        scf.yield %add3A_244 : vector<16xi32>
      }
      %scan3A_132 = arith.constant 15 : i32
      %reduce_sum3A = arith.constant true
      %reduce_sum3A_133 = vector.broadcast %reduce_sum3A : i1 to vector<16xi1>
      %reduce_sum3A_134 = tpu.scan <sum>, %scan3A_131 masked %reduce_sum3A_133 : vector<16xi32>, vector<16xi1> -> vector<16xi32>
      %reduce_sum3A_135 = vector.extract %reduce_sum3A_134[15] : i32 from vector<16xi32>
      %get3A_136 = arith.constant 0 : index
      %get3A_137 = tpu.vector_load %arg11[%get3A_136] {strides = array<i32>} : memref<1024xi32, #tpu.memory_space<vmem>>, vector<16xi32>,
      %get3A_138 = arith.constant 16 : index
      %get3A_139 = tpu.vector_load %arg11[%get3A_138] {strides = array<i32>} : memref<1024xi32, #tpu.memory_space<vmem>>, vector<16xi32>,
      %scan3A_140 = arith.constant 1 : i32
      %scan3A_141 = arith.constant 15 : i32
      %scan3A_142 = arith.addi %scan3A_140, %scan3A_141 : i32
      %scan3A_143 = arith.constant 1 : i32
      %scan3A_144:2 = scf.for %scan3A_237 = %scan3A_140 to %scan3A_142 step %scan3A_143 iter_args(%scan3A_238 = %get3A_137, %scan3A_239 = %get3A_139) -> (vector<16xi32>, vector<16xi32>)  : i32 {
        %mul3A_240 = arith.constant 64 : i32
        %mul3A_241 = arith.muli %scan3A_237, %mul3A_240 : i32
        %add3A_242 = arith.constant 0 : i32
        %add3A_243 = arith.addi %mul3A_241, %add3A_242 : i32
        %get3A_244 = arith.index_cast %add3A_243 : i32 to index
        %get3A_245 = tpu.vector_load %arg11[%get3A_244] {strides = array<i32>} : memref<1024xi32, #tpu.memory_space<vmem>>, vector<16xi32>,
        %mul3A_246 = arith.constant 64 : i32
        %mul3A_247 = arith.muli %scan3A_237, %mul3A_246 : i32
        %add3A_248 = arith.constant 16 : i32
        %add3A_249 = arith.addi %mul3A_247, %add3A_248 : i32
        %get3A_250 = arith.index_cast %add3A_249 : i32 to index
        %get3A_251 = tpu.vector_load %arg11[%get3A_250] {strides = array<i32>} : memref<1024xi32, #tpu.memory_space<vmem>>, vector<16xi32>,
        %min3A_252 = arith.minsi %scan3A_239, %get3A_251 : vector<16xi32>
        %max3A = arith.maxsi %scan3A_238, %get3A_245 : vector<16xi32>
        %min3A_253 = arith.minsi %min3A_252, %max3A : vector<16xi32>
        %min3A_254 = arith.minsi %scan3A_238, %get3A_245 : vector<16xi32>
        scf.yield %min3A_254, %min3A_253 : vector<16xi32>, vector<16xi32>
      }
      %scan3A_145 = arith.constant 15 : i32
      %reduce_min3A = arith.constant true
      %reduce_min3A_146 = vector.broadcast %reduce_min3A : i1 to vector<16xi1>
      %reduce_min3A_147 = arith.constant -2147483648 : i32
      %reduce_min3A_148 = vector.broadcast %reduce_min3A_147 : i32 to vector<16xi32>
      %reduce_min3A_149 = arith.xori %scan3A_144#0, %reduce_min3A_148 : vector<16xi32>
      %reduce_min3A_150 = tpu.scan <min>, %reduce_min3A_149 masked %reduce_min3A_146 : vector<16xi32>, vector<16xi1> -> vector<16xi32>
      %reduce_min3A_151 = arith.xori %reduce_min3A_150, %reduce_min3A_148 : vector<16xi32>
      %reduce_min3A_152 = vector.extract %reduce_min3A_151[15] : i32 from vector<16xi32>
      %eq3A_153 = vector.broadcast %reduce_min3A_152 : i32 to vector<16xi32>
      %eq3A_154 = arith.cmpi eq, %scan3A_144#0, %eq3A_153 : vector<16xi32>
      %select_n3A = arith.select %eq3A_154, %broadcast_in_dim3A_0, %scan3A_144#0 : vector<16xi1>, vector<16xi32>
      %select_n3A_155 = arith.select %eq3A_154, %scan3A_144#1, %broadcast_in_dim3A_0 : vector<16xi1>, vector<16xi32>
      %reduce_min3A_156 = arith.constant true
      %reduce_min3A_157 = vector.broadcast %reduce_min3A_156 : i1 to vector<16xi1>
      %reduce_min3A_158 = arith.constant -2147483648 : i32
      %reduce_min3A_159 = vector.broadcast %reduce_min3A_158 : i32 to vector<16xi32>
      %reduce_min3A_160 = arith.xori %select_n3A, %reduce_min3A_159 : vector<16xi32>
      %reduce_min3A_161 = tpu.scan <min>, %reduce_min3A_160 masked %reduce_min3A_157 : vector<16xi32>, vector<16xi1> -> vector<16xi32>
      %reduce_min3A_162 = arith.xori %reduce_min3A_161, %reduce_min3A_159 : vector<16xi32>
      %reduce_min3A_163 = vector.extract %reduce_min3A_162[15] : i32 from vector<16xi32>
      %reduce_min3A_164 = arith.constant true
      %reduce_min3A_165 = vector.broadcast %reduce_min3A_164 : i1 to vector<16xi1>
      %reduce_min3A_166 = arith.constant -2147483648 : i32
      %reduce_min3A_167 = vector.broadcast %reduce_min3A_166 : i32 to vector<16xi32>
      %reduce_min3A_168 = arith.xori %select_n3A_155, %reduce_min3A_167 : vector<16xi32>
      %reduce_min3A_169 = tpu.scan <min>, %reduce_min3A_168 masked %reduce_min3A_165 : vector<16xi32>, vector<16xi1> -> vector<16xi32>
      %reduce_min3A_170 = arith.xori %reduce_min3A_169, %reduce_min3A_167 : vector<16xi32>
      %reduce_min3A_171 = vector.extract %reduce_min3A_170[15] : i32 from vector<16xi32>
      %min3A = arith.minsi %reduce_min3A_163, %reduce_min3A_171 : i32
      %get3A_172 = arith.constant 32 : index
      %get3A_173 = tpu.vector_load %arg11[%get3A_172] {strides = array<i32>} : memref<1024xi32, #tpu.memory_space<vmem>>, vector<16xi32>,
      %get3A_174 = arith.constant 48 : index
      %get3A_175 = tpu.vector_load %arg11[%get3A_174] {strides = array<i32>} : memref<1024xi32, #tpu.memory_space<vmem>>, vector<16xi32>,
      %scan3A_176 = arith.constant 1 : i32
      %scan3A_177 = arith.constant 15 : i32
      %scan3A_178 = arith.addi %scan3A_176, %scan3A_177 : i32
      %scan3A_179 = arith.constant 1 : i32
      %scan3A_180:2 = scf.for %scan3A_237 = %scan3A_176 to %scan3A_178 step %scan3A_179 iter_args(%scan3A_238 = %get3A_173, %scan3A_239 = %get3A_175) -> (vector<16xi32>, vector<16xi32>)  : i32 {
        %mul3A_240 = arith.constant 64 : i32
        %mul3A_241 = arith.muli %scan3A_237, %mul3A_240 : i32
        %add3A_242 = arith.constant 32 : i32
        %add3A_243 = arith.addi %mul3A_241, %add3A_242 : i32
        %get3A_244 = arith.index_cast %add3A_243 : i32 to index
        %get3A_245 = tpu.vector_load %arg11[%get3A_244] {strides = array<i32>} : memref<1024xi32, #tpu.memory_space<vmem>>, vector<16xi32>,
        %mul3A_246 = arith.constant 64 : i32
        %mul3A_247 = arith.muli %scan3A_237, %mul3A_246 : i32
        %add3A_248 = arith.constant 48 : i32
        %add3A_249 = arith.addi %mul3A_247, %add3A_248 : i32
        %get3A_250 = arith.index_cast %add3A_249 : i32 to index
        %get3A_251 = tpu.vector_load %arg11[%get3A_250] {strides = array<i32>} : memref<1024xi32, #tpu.memory_space<vmem>>, vector<16xi32>,
        %min3A_252 = arith.minsi %scan3A_239, %get3A_251 : vector<16xi32>
        %max3A = arith.maxsi %scan3A_238, %get3A_245 : vector<16xi32>
        %min3A_253 = arith.minsi %min3A_252, %max3A : vector<16xi32>
        %min3A_254 = arith.minsi %scan3A_238, %get3A_245 : vector<16xi32>
        scf.yield %min3A_254, %min3A_253 : vector<16xi32>, vector<16xi32>
      }
      %scan3A_181 = arith.constant 15 : i32
      %reduce_min3A_182 = arith.constant true
      %reduce_min3A_183 = vector.broadcast %reduce_min3A_182 : i1 to vector<16xi1>
      %reduce_min3A_184 = arith.constant -2147483648 : i32
      %reduce_min3A_185 = vector.broadcast %reduce_min3A_184 : i32 to vector<16xi32>
      %reduce_min3A_186 = arith.xori %scan3A_180#0, %reduce_min3A_185 : vector<16xi32>
      %reduce_min3A_187 = tpu.scan <min>, %reduce_min3A_186 masked %reduce_min3A_183 : vector<16xi32>, vector<16xi1> -> vector<16xi32>
      %reduce_min3A_188 = arith.xori %reduce_min3A_187, %reduce_min3A_185 : vector<16xi32>
      %reduce_min3A_189 = vector.extract %reduce_min3A_188[15] : i32 from vector<16xi32>
      %eq3A_190 = vector.broadcast %reduce_min3A_189 : i32 to vector<16xi32>
      %eq3A_191 = arith.cmpi eq, %scan3A_180#0, %eq3A_190 : vector<16xi32>
      %select_n3A_192 = arith.select %eq3A_191, %broadcast_in_dim3A_0, %scan3A_180#0 : vector<16xi1>, vector<16xi32>
      %select_n3A_193 = arith.select %eq3A_191, %scan3A_180#1, %broadcast_in_dim3A_0 : vector<16xi1>, vector<16xi32>
      %reduce_min3A_194 = arith.constant true
      %reduce_min3A_195 = vector.broadcast %reduce_min3A_194 : i1 to vector<16xi1>
      %reduce_min3A_196 = arith.constant -2147483648 : i32
      %reduce_min3A_197 = vector.broadcast %reduce_min3A_196 : i32 to vector<16xi32>
      %reduce_min3A_198 = arith.xori %select_n3A_192, %reduce_min3A_197 : vector<16xi32>
      %reduce_min3A_199 = tpu.scan <min>, %reduce_min3A_198 masked %reduce_min3A_195 : vector<16xi32>, vector<16xi1> -> vector<16xi32>
      %reduce_min3A_200 = arith.xori %reduce_min3A_199, %reduce_min3A_197 : vector<16xi32>
      %reduce_min3A_201 = vector.extract %reduce_min3A_200[15] : i32 from vector<16xi32>
      %reduce_min3A_202 = arith.constant true
      %reduce_min3A_203 = vector.broadcast %reduce_min3A_202 : i1 to vector<16xi1>
      %reduce_min3A_204 = arith.constant -2147483648 : i32
      %reduce_min3A_205 = vector.broadcast %reduce_min3A_204 : i32 to vector<16xi32>
      %reduce_min3A_206 = arith.xori %select_n3A_193, %reduce_min3A_205 : vector<16xi32>
      %reduce_min3A_207 = tpu.scan <min>, %reduce_min3A_206 masked %reduce_min3A_203 : vector<16xi32>, vector<16xi1> -> vector<16xi32>
      %reduce_min3A_208 = arith.xori %reduce_min3A_207, %reduce_min3A_205 : vector<16xi32>
      %reduce_min3A_209 = vector.extract %reduce_min3A_208[15] : i32 from vector<16xi32>
      %min3A_210 = arith.minsi %reduce_min3A_201, %reduce_min3A_209 : i32
      %eq3A_211 = vector.broadcast %arg1 : i32 to vector<16xi32>
      %eq3A_212 = arith.cmpi eq, %iota3A, %eq3A_211 : vector<16xi32>
      %broadcast_in_dim3A_213 = arith.constant 0 : i32
      %broadcast_in_dim3A_214 = vector.broadcast %broadcast_in_dim3A_213 : i32 to vector<16xi32>
      %broadcast_in_dim3A_215 = vector.broadcast %reduce_sum3A_135 : i32 to vector<16xi32>
      %select_n3A_216 = arith.select %eq3A_212, %broadcast_in_dim3A_215, %broadcast_in_dim3A_214 : vector<16xi1>, vector<16xi32>
      %swap3A_217 = arith.constant 0 : index
      %swap3A_218 = tpu.vector_load %arg13[%swap3A_217] {strides = array<i32>} : memref<80xi32, #tpu.memory_space<vmem>>, vector<16xi32>,
      tpu.vector_store %arg13[%swap3A_217], %select_n3A_216 {strides = array<i32>} : memref<80xi32, #tpu.memory_space<vmem>>, vector<16xi32>,
      %broadcast_in_dim3A_219 = vector.broadcast %reduce_min3A_152 : i32 to vector<16xi32>
      %select_n3A_220 = arith.select %eq3A_212, %broadcast_in_dim3A_219, %broadcast_in_dim3A_214 : vector<16xi1>, vector<16xi32>
      %swap3A_221 = arith.constant 16 : index
      %swap3A_222 = tpu.vector_load %arg13[%swap3A_221] {strides = array<i32>} : memref<80xi32, #tpu.memory_space<vmem>>, vector<16xi32>,
      tpu.vector_store %arg13[%swap3A_221], %select_n3A_220 {strides = array<i32>} : memref<80xi32, #tpu.memory_space<vmem>>, vector<16xi32>,
      %broadcast_in_dim3A_223 = vector.broadcast %min3A : i32 to vector<16xi32>
      %select_n3A_224 = arith.select %eq3A_212, %broadcast_in_dim3A_223, %broadcast_in_dim3A_214 : vector<16xi1>, vector<16xi32>
      %swap3A_225 = arith.constant 32 : index
      %swap3A_226 = tpu.vector_load %arg13[%swap3A_225] {strides = array<i32>} : memref<80xi32, #tpu.memory_space<vmem>>, vector<16xi32>,
      tpu.vector_store %arg13[%swap3A_225], %select_n3A_224 {strides = array<i32>} : memref<80xi32, #tpu.memory_space<vmem>>, vector<16xi32>,
      %broadcast_in_dim3A_227 = vector.broadcast %reduce_min3A_189 : i32 to vector<16xi32>
      %select_n3A_228 = arith.select %eq3A_212, %broadcast_in_dim3A_227, %broadcast_in_dim3A_214 : vector<16xi1>, vector<16xi32>
      %swap3A_229 = arith.constant 48 : index
      %swap3A_230 = tpu.vector_load %arg13[%swap3A_229] {strides = array<i32>} : memref<80xi32, #tpu.memory_space<vmem>>, vector<16xi32>,
      tpu.vector_store %arg13[%swap3A_229], %select_n3A_228 {strides = array<i32>} : memref<80xi32, #tpu.memory_space<vmem>>, vector<16xi32>,
      %broadcast_in_dim3A_231 = vector.broadcast %min3A_210 : i32 to vector<16xi32>
      %select_n3A_232 = arith.select %eq3A_212, %broadcast_in_dim3A_231, %broadcast_in_dim3A_214 : vector<16xi1>, vector<16xi32>
      %swap3A_233 = arith.constant 64 : index
      %swap3A_234 = tpu.vector_load %arg13[%swap3A_233] {strides = array<i32>} : memref<80xi32, #tpu.memory_space<vmem>>, vector<16xi32>,
      tpu.vector_store %arg13[%swap3A_233], %select_n3A_232 {strides = array<i32>} : memref<80xi32, #tpu.memory_space<vmem>>, vector<16xi32>,
      %mul3A_235 = arith.constant 80 : i32
      %mul3A_236 = arith.muli %arg1, %mul3A_235 : i32
      "tpu.region"() ({
        %run_scoped3A = tpu.sem_alloc : memref<!tpu.dma_semaphore, #tpu.memory_space<semaphore_mem>>
        %dma_start3A_237 = tpu.memref_slice %arg14[%mul3A_236] : memref<800xi32, #tpu.memory_space<vmem_shared>> -> memref<80xi32, #tpu.memory_space<vmem_shared>>
        %dma_start3A_238 = tpu.memref_slice %arg14[%mul3A_236] : memref<800xi32, #tpu.memory_space<vmem_shared>> -> memref<80xi32, #tpu.memory_space<vmem_shared>>
        tpu.enqueue_dma source(%arg13 : memref<80xi32, #tpu.memory_space<vmem>>) target(%dma_start3A_238 : memref<80xi32, #tpu.memory_space<vmem_shared>>) target_semaphore(%run_scoped3A : memref<!tpu.dma_semaphore, #tpu.memory_space<semaphore_mem>>)
        %dma_wait3A_239 = tpu.memref_slice %arg14[%mul3A_236] : memref<800xi32, #tpu.memory_space<vmem_shared>> -> memref<80xi32, #tpu.memory_space<vmem_shared>>
        %dma_wait3A_240 = tpu.memref_slice %arg14[%mul3A_236] : memref<800xi32, #tpu.memory_space<vmem_shared>> -> memref<80xi32, #tpu.memory_space<vmem_shared>>
        tpu.wait_dma2 semaphore(%run_scoped3A : memref<!tpu.dma_semaphore, #tpu.memory_space<semaphore_mem>>) src(%arg13 : memref<80xi32, #tpu.memory_space<vmem>>) dst(%dma_wait3A_240 : memref<80xi32, #tpu.memory_space<vmem_shared>>)
        tpu.yield
      }) : () -> ()
    } else {
    }
    %barrier3A_85 = arith.constant 0 : index
    tpu.barrier barrier_id(%barrier3A_85)
    %eq3A = arith.constant 0 : i32
    %eq3A_86 = arith.cmpi eq, %arg1, %eq3A : i32
    %convert_element_type3A_87 = arith.extui %eq3A_86 : i1 to i32
    %cond3A_88 = arith.constant 0 : i32
    %cond3A_89 = arith.cmpi ne, %convert_element_type3A_87, %cond3A_88 : i32
    scf.if %cond3A_89 {
      "tpu.region"() ({
        %run_scoped3A = tpu.sem_alloc : memref<!tpu.dma_semaphore, #tpu.memory_space<semaphore_mem>>
        tpu.enqueue_dma source(%arg14 : memref<800xi32, #tpu.memory_space<vmem_shared>>) target(%arg15 : memref<800xi32, #tpu.memory_space<vmem>>) target_semaphore(%run_scoped3A : memref<!tpu.dma_semaphore, #tpu.memory_space<semaphore_mem>>)
        tpu.wait_dma2 semaphore(%run_scoped3A : memref<!tpu.dma_semaphore, #tpu.memory_space<semaphore_mem>>) src(%arg14 : memref<800xi32, #tpu.memory_space<vmem_shared>>) dst(%arg15 : memref<800xi32, #tpu.memory_space<vmem>>)
        tpu.yield
      }) : () -> ()
      %get3A = arith.constant 0 : index
      %get3A_113 = tpu.vector_load %arg15[%get3A] {strides = array<i32>} : memref<800xi32, #tpu.memory_space<vmem>>, vector<16xi32>,
      %scan3A_114 = arith.constant 1 : i32
      %scan3A_115 = arith.constant 9 : i32
      %scan3A_116 = arith.addi %scan3A_114, %scan3A_115 : i32
      %scan3A_117 = arith.constant 1 : i32
      %scan3A_118 = scf.for %scan3A_293 = %scan3A_114 to %scan3A_116 step %scan3A_117 iter_args(%scan3A_294 = %get3A_113) -> (vector<16xi32>)  : i32 {
        %mul3A_295 = arith.constant 80 : i32
        %mul3A_296 = arith.muli %scan3A_293, %mul3A_295 : i32
        %add3A_297 = arith.constant 0 : i32
        %add3A_298 = arith.addi %mul3A_296, %add3A_297 : i32
        %get3A_299 = arith.index_cast %add3A_298 : i32 to index
        %get3A_300 = tpu.vector_load %arg15[%get3A_299] {strides = array<i32>} : memref<800xi32, #tpu.memory_space<vmem>>, vector<16xi32>,
        %add3A_301 = arith.addi %scan3A_294, %get3A_300 : vector<16xi32>
        scf.yield %add3A_301 : vector<16xi32>
      }
      %scan3A_119 = arith.constant 9 : i32
      %get3A_120 = arith.constant 16 : index
      %get3A_121 = tpu.vector_load %arg15[%get3A_120] {strides = array<i32>} : memref<800xi32, #tpu.memory_space<vmem>>, vector<16xi32>,
      %scan3A_122 = arith.constant 1 : i32
      %scan3A_123 = arith.constant 9 : i32
      %scan3A_124 = arith.addi %scan3A_122, %scan3A_123 : i32
      %scan3A_125 = arith.constant 1 : i32
      %scan3A_126 = scf.for %scan3A_293 = %scan3A_122 to %scan3A_124 step %scan3A_125 iter_args(%scan3A_294 = %get3A_121) -> (vector<16xi32>)  : i32 {
        %mul3A_295 = arith.constant 80 : i32
        %mul3A_296 = arith.muli %scan3A_293, %mul3A_295 : i32
        %add3A_297 = arith.constant 16 : i32
        %add3A_298 = arith.addi %mul3A_296, %add3A_297 : i32
        %get3A_299 = arith.index_cast %add3A_298 : i32 to index
        %get3A_300 = tpu.vector_load %arg15[%get3A_299] {strides = array<i32>} : memref<800xi32, #tpu.memory_space<vmem>>, vector<16xi32>,
        %add3A_301 = arith.addi %scan3A_294, %get3A_300 : vector<16xi32>
        scf.yield %add3A_301 : vector<16xi32>
      }
      %scan3A_127 = arith.constant 9 : i32
      %get3A_128 = arith.constant 32 : index
      %get3A_129 = tpu.vector_load %arg15[%get3A_128] {strides = array<i32>} : memref<800xi32, #tpu.memory_space<vmem>>, vector<16xi32>,
      %scan3A_130 = arith.constant 1 : i32
      %scan3A_131 = arith.constant 9 : i32
      %scan3A_132 = arith.addi %scan3A_130, %scan3A_131 : i32
      %scan3A_133 = arith.constant 1 : i32
      %scan3A_134 = scf.for %scan3A_293 = %scan3A_130 to %scan3A_132 step %scan3A_133 iter_args(%scan3A_294 = %get3A_129) -> (vector<16xi32>)  : i32 {
        %mul3A_295 = arith.constant 80 : i32
        %mul3A_296 = arith.muli %scan3A_293, %mul3A_295 : i32
        %add3A_297 = arith.constant 32 : i32
        %add3A_298 = arith.addi %mul3A_296, %add3A_297 : i32
        %get3A_299 = arith.index_cast %add3A_298 : i32 to index
        %get3A_300 = tpu.vector_load %arg15[%get3A_299] {strides = array<i32>} : memref<800xi32, #tpu.memory_space<vmem>>, vector<16xi32>,
        %add3A_301 = arith.addi %scan3A_294, %get3A_300 : vector<16xi32>
        scf.yield %add3A_301 : vector<16xi32>
      }
      %scan3A_135 = arith.constant 9 : i32
      %get3A_136 = arith.constant 48 : index
      %get3A_137 = tpu.vector_load %arg15[%get3A_136] {strides = array<i32>} : memref<800xi32, #tpu.memory_space<vmem>>, vector<16xi32>,
      %scan3A_138 = arith.constant 1 : i32
      %scan3A_139 = arith.constant 9 : i32
      %scan3A_140 = arith.addi %scan3A_138, %scan3A_139 : i32
      %scan3A_141 = arith.constant 1 : i32
      %scan3A_142 = scf.for %scan3A_293 = %scan3A_138 to %scan3A_140 step %scan3A_141 iter_args(%scan3A_294 = %get3A_137) -> (vector<16xi32>)  : i32 {
        %mul3A_295 = arith.constant 80 : i32
        %mul3A_296 = arith.muli %scan3A_293, %mul3A_295 : i32
        %add3A_297 = arith.constant 48 : i32
        %add3A_298 = arith.addi %mul3A_296, %add3A_297 : i32
        %get3A_299 = arith.index_cast %add3A_298 : i32 to index
        %get3A_300 = tpu.vector_load %arg15[%get3A_299] {strides = array<i32>} : memref<800xi32, #tpu.memory_space<vmem>>, vector<16xi32>,
        %add3A_301 = arith.addi %scan3A_294, %get3A_300 : vector<16xi32>
        scf.yield %add3A_301 : vector<16xi32>
      }
      %scan3A_143 = arith.constant 9 : i32
      %get3A_144 = arith.constant 64 : index
      %get3A_145 = tpu.vector_load %arg15[%get3A_144] {strides = array<i32>} : memref<800xi32, #tpu.memory_space<vmem>>, vector<16xi32>,
      %scan3A_146 = arith.constant 1 : i32
      %scan3A_147 = arith.constant 9 : i32
      %scan3A_148 = arith.addi %scan3A_146, %scan3A_147 : i32
      %scan3A_149 = arith.constant 1 : i32
      %scan3A_150 = scf.for %scan3A_293 = %scan3A_146 to %scan3A_148 step %scan3A_149 iter_args(%scan3A_294 = %get3A_145) -> (vector<16xi32>)  : i32 {
        %mul3A_295 = arith.constant 80 : i32
        %mul3A_296 = arith.muli %scan3A_293, %mul3A_295 : i32
        %add3A_297 = arith.constant 64 : i32
        %add3A_298 = arith.addi %mul3A_296, %add3A_297 : i32
        %get3A_299 = arith.index_cast %add3A_298 : i32 to index
        %get3A_300 = tpu.vector_load %arg15[%get3A_299] {strides = array<i32>} : memref<800xi32, #tpu.memory_space<vmem>>, vector<16xi32>,
        %add3A_301 = arith.addi %scan3A_294, %get3A_300 : vector<16xi32>
        scf.yield %add3A_301 : vector<16xi32>
      }
      %scan3A_151 = arith.constant 9 : i32
      %jit3A = arith.constant 0 : i32
      %jit3A_152 = arith.constant 16383 : i32
      %max3A = vector.broadcast %jit3A : i32 to vector<16xi32>
      %max3A_153 = arith.maxsi %max3A, %scan3A_126 : vector<16xi32>
      %min3A = vector.broadcast %jit3A_152 : i32 to vector<16xi32>
      %min3A_154 = arith.minsi %min3A, %max3A_153 : vector<16xi32>
      %mul3A_155 = arith.constant 10 : i32
      %mul3A_156 = vector.broadcast %mul3A_155 : i32 to vector<16xi32>
      %mul3A_157 = arith.muli %min3A_154, %mul3A_156 : vector<16xi32>
      %min3A_158 = arith.constant 9 : i32
      %min3A_159 = vector.broadcast %min3A_158 : i32 to vector<16xi32>
      %min3A_160 = arith.minsi %iota3A, %min3A_159 : vector<16xi32>
      %add3A_161 = arith.addi %mul3A_157, %min3A_160 : vector<16xi32>
      %swap3A_162 = arith.constant 0 : index
      %swap3A_163 = tpu.vector_load %arg16[%swap3A_162] {strides = array<i32>} : memref<64xi32, #tpu.memory_space<vmem>>, vector<16xi32>,
      tpu.vector_store %arg16[%swap3A_162], %add3A_161 {strides = array<i32>} : memref<64xi32, #tpu.memory_space<vmem>>, vector<16xi32>,
      %jit3A_164 = arith.constant 0 : i32
      %jit3A_165 = arith.constant 16383 : i32
      %max3A_166 = vector.broadcast %jit3A_164 : i32 to vector<16xi32>
      %max3A_167 = arith.maxsi %max3A_166, %scan3A_134 : vector<16xi32>
      %min3A_168 = vector.broadcast %jit3A_165 : i32 to vector<16xi32>
      %min3A_169 = arith.minsi %min3A_168, %max3A_167 : vector<16xi32>
      %mul3A_170 = arith.constant 10 : i32
      %mul3A_171 = vector.broadcast %mul3A_170 : i32 to vector<16xi32>
      %mul3A_172 = arith.muli %min3A_169, %mul3A_171 : vector<16xi32>
      %min3A_173 = arith.constant 9 : i32
      %min3A_174 = vector.broadcast %min3A_173 : i32 to vector<16xi32>
      %min3A_175 = arith.minsi %iota3A, %min3A_174 : vector<16xi32>
      %add3A_176 = arith.addi %mul3A_172, %min3A_175 : vector<16xi32>
      %swap3A_177 = arith.constant 16 : index
      %swap3A_178 = tpu.vector_load %arg16[%swap3A_177] {strides = array<i32>} : memref<64xi32, #tpu.memory_space<vmem>>, vector<16xi32>,
      tpu.vector_store %arg16[%swap3A_177], %add3A_176 {strides = array<i32>} : memref<64xi32, #tpu.memory_space<vmem>>, vector<16xi32>,
      %jit3A_179 = arith.constant 0 : i32
      %jit3A_180 = arith.constant 16383 : i32
      %max3A_181 = vector.broadcast %jit3A_179 : i32 to vector<16xi32>
      %max3A_182 = arith.maxsi %max3A_181, %scan3A_142 : vector<16xi32>
      %min3A_183 = vector.broadcast %jit3A_180 : i32 to vector<16xi32>
      %min3A_184 = arith.minsi %min3A_183, %max3A_182 : vector<16xi32>
      %mul3A_185 = arith.constant 10 : i32
      %mul3A_186 = vector.broadcast %mul3A_185 : i32 to vector<16xi32>
      %mul3A_187 = arith.muli %min3A_184, %mul3A_186 : vector<16xi32>
      %min3A_188 = arith.constant 9 : i32
      %min3A_189 = vector.broadcast %min3A_188 : i32 to vector<16xi32>
      %min3A_190 = arith.minsi %iota3A, %min3A_189 : vector<16xi32>
      %add3A_191 = arith.addi %mul3A_187, %min3A_190 : vector<16xi32>
      %swap3A_192 = arith.constant 32 : index
      %swap3A_193 = tpu.vector_load %arg16[%swap3A_192] {strides = array<i32>} : memref<64xi32, #tpu.memory_space<vmem>>, vector<16xi32>,
      tpu.vector_store %arg16[%swap3A_192], %add3A_191 {strides = array<i32>} : memref<64xi32, #tpu.memory_space<vmem>>, vector<16xi32>,
      %jit3A_194 = arith.constant 0 : i32
      %jit3A_195 = arith.constant 16383 : i32
      %max3A_196 = vector.broadcast %jit3A_194 : i32 to vector<16xi32>
      %max3A_197 = arith.maxsi %max3A_196, %scan3A_150 : vector<16xi32>
      %min3A_198 = vector.broadcast %jit3A_195 : i32 to vector<16xi32>
      %min3A_199 = arith.minsi %min3A_198, %max3A_197 : vector<16xi32>
      %mul3A_200 = arith.constant 10 : i32
      %mul3A_201 = vector.broadcast %mul3A_200 : i32 to vector<16xi32>
      %mul3A_202 = arith.muli %min3A_199, %mul3A_201 : vector<16xi32>
      %min3A_203 = arith.constant 9 : i32
      %min3A_204 = vector.broadcast %min3A_203 : i32 to vector<16xi32>
      %min3A_205 = arith.minsi %iota3A, %min3A_204 : vector<16xi32>
      %add3A_206 = arith.addi %mul3A_202, %min3A_205 : vector<16xi32>
      %swap3A_207 = arith.constant 48 : index
      %swap3A_208 = tpu.vector_load %arg16[%swap3A_207] {strides = array<i32>} : memref<64xi32, #tpu.memory_space<vmem>>, vector<16xi32>,
      tpu.vector_store %arg16[%swap3A_207], %add3A_206 {strides = array<i32>} : memref<64xi32, #tpu.memory_space<vmem>>, vector<16xi32>,
      %dma_start3A_209 = arith.constant 0 : i32
      %dma_start3A_210 = tpu.memref_slice %arg2[%dma_start3A_209] : memref<163840xf32, #tpu.memory_space<hbm>> -> memref<163840xf32, #tpu.memory_space<hbm>>
      tpu.enqueue_indirect_dma source(%dma_start3A_210 : memref<163840xf32, #tpu.memory_space<hbm>>) target(%arg17 : memref<64xf32, #tpu.memory_space<vmem>>) offsets(%arg16 : memref<64xi32, #tpu.memory_space<vmem>>) semaphore(%arg24 : memref<!tpu.dma_semaphore, #tpu.memory_space<semaphore_mem>>)
      %lt3A_211 = arith.constant 10 : i32
      %lt3A_212 = vector.broadcast %lt3A_211 : i32 to vector<16xi32>
      %lt3A_213 = arith.cmpi slt, %iota3A, %lt3A_212 : vector<16xi32>
      %mul3A_214 = arith.constant 16 : i32
      %mul3A_215 = vector.broadcast %mul3A_214 : i32 to vector<16xi32>
      %mul3A_216 = arith.muli %scan3A_118, %mul3A_215 : vector<16xi32>
      %add3A_217 = arith.addi %mul3A_216, %iota3A : vector<16xi32>
      %broadcast_in_dim3A_218 = arith.constant 1073741824 : i32
      %broadcast_in_dim3A_219 = vector.broadcast %broadcast_in_dim3A_218 : i32 to vector<16xi32>
      %select_n3A = arith.select %lt3A_213, %add3A_217, %broadcast_in_dim3A_219 : vector<16xi1>, vector<16xi32>
      %broadcast_in_dim3A_220 = arith.constant 0.000000e+00 : f32
      %broadcast_in_dim3A_221 = vector.broadcast %broadcast_in_dim3A_220 : f32 to vector<16xf32>
      %scan3A_222 = arith.constant 0 : i32
      %scan3A_223 = arith.constant 10 : i32
      %scan3A_224 = arith.addi %scan3A_222, %scan3A_223 : i32
      %scan3A_225 = arith.constant 1 : i32
      %scan3A_226 = scf.for %scan3A_293 = %scan3A_222 to %scan3A_224 step %scan3A_225 iter_args(%scan3A_294 = %broadcast_in_dim3A_221) -> (vector<16xf32>)  : i32 {
        %eq3A_295 = vector.broadcast %scan3A_293 : i32 to vector<16xi32>
        %eq3A_296 = arith.cmpi eq, %iota3A, %eq3A_295 : vector<16xi32>
        %broadcast_in_dim3A_297 = arith.constant 0 : i32
        %broadcast_in_dim3A_298 = vector.broadcast %broadcast_in_dim3A_297 : i32 to vector<16xi32>
        %select_n3A_299 = arith.select %eq3A_296, %scan3A_118, %broadcast_in_dim3A_298 : vector<16xi1>, vector<16xi32>
        %reduce_sum3A = arith.constant true
        %reduce_sum3A_300 = vector.broadcast %reduce_sum3A : i1 to vector<16xi1>
        %reduce_sum3A_301 = tpu.scan <sum>, %select_n3A_299 masked %reduce_sum3A_300 : vector<16xi32>, vector<16xi1> -> vector<16xi32>
        %reduce_sum3A_302 = vector.extract %reduce_sum3A_301[15] : i32 from vector<16xi32>
        %mul3A_303 = arith.constant 16 : i32
        %mul3A_304 = arith.muli %reduce_sum3A_302, %mul3A_303 : i32
        %add3A_305 = arith.addi %mul3A_304, %scan3A_293 : i32
        %le3A_306 = vector.broadcast %add3A_305 : i32 to vector<16xi32>
        %le3A_307 = arith.cmpi sle, %le3A_306, %select_n3A : vector<16xi32>
        %convert_element_type3A_308 = arith.sitofp %reduce_sum3A_302 : i32 to f32
        %jit3A_309 = arith.constant 0.000000e+00 : f32
        %broadcast_in_dim3A_310 = vector.broadcast %convert_element_type3A_308 : f32 to vector<16xf32>
        %broadcast_in_dim3A_311 = vector.broadcast %jit3A_309 : f32 to vector<16xf32>
        %select_n3A_312 = arith.select %le3A_307, %broadcast_in_dim3A_310, %broadcast_in_dim3A_311 : vector<16xi1>, vector<16xf32>
        %add3A_313 = arith.addf %scan3A_294, %select_n3A_312 : vector<16xf32>
        scf.yield %add3A_313 : vector<16xf32>
      }
      %scan3A_227 = arith.constant 10 : i32
      %le3A = arith.constant 6.553600e+03 : f32
      %le3A_228 = vector.broadcast %le3A : f32 to vector<16xf32>
      %le3A_229 = arith.cmpf ole, %scan3A_226, %le3A_228 : vector<16xf32>
      %jit3A_230 = arith.constant 1.000000e+00 : f32
      %jit3A_231 = arith.constant 0.000000e+00 : f32
      %broadcast_in_dim3A_232 = vector.broadcast %jit3A_230 : f32 to vector<16xf32>
      %broadcast_in_dim3A_233 = vector.broadcast %jit3A_231 : f32 to vector<16xf32>
      %select_n3A_234 = arith.select %le3A_229, %broadcast_in_dim3A_232, %broadcast_in_dim3A_233 : vector<16xi1>, vector<16xf32>
      %convert_element_type3A_235 = arith.sitofp %scan3A_118 : vector<16xi32> to vector<16xf32>
      %sub3A_236 = arith.constant 1.638400e+04 : f32
      %sub3A_237 = vector.broadcast %sub3A_236 : f32 to vector<16xf32>
      %sub3A_238 = arith.subf %sub3A_237, %convert_element_type3A_235 : vector<16xf32>
      %broadcast_in_dim3A_239 = arith.constant 1.000000e+00 : f32
      %broadcast_in_dim3A_240 = vector.broadcast %broadcast_in_dim3A_239 : f32 to vector<16xf32>
      %broadcast_in_dim3A_241 = arith.constant 0.000000e+00 : f32
      %broadcast_in_dim3A_242 = vector.broadcast %broadcast_in_dim3A_241 : f32 to vector<16xf32>
      %ge3A = arith.constant 2.000000e+00 : f32
      %ge3A_243 = vector.broadcast %ge3A : f32 to vector<16xf32>
      %ge3A_244 = arith.cmpf oge, %convert_element_type3A_235, %ge3A_243 : vector<16xf32>
      %select_n3A_245 = arith.select %ge3A_244, %broadcast_in_dim3A_240, %broadcast_in_dim3A_242 : vector<16xi1>, vector<16xf32>
      %ge3A_246 = arith.constant 1.000000e+00 : f32
      %ge3A_247 = vector.broadcast %ge3A_246 : f32 to vector<16xf32>
      %ge3A_248 = arith.cmpf oge, %sub3A_238, %ge3A_247 : vector<16xf32>
      %select_n3A_249 = arith.select %ge3A_248, %broadcast_in_dim3A_240, %broadcast_in_dim3A_242 : vector<16xi1>, vector<16xf32>
      %ge3A_250 = arith.constant 2.000000e+00 : f32
      %ge3A_251 = vector.broadcast %ge3A_250 : f32 to vector<16xf32>
      %ge3A_252 = arith.cmpf oge, %sub3A_238, %ge3A_251 : vector<16xf32>
      %select_n3A_253 = arith.select %ge3A_252, %broadcast_in_dim3A_240, %broadcast_in_dim3A_242 : vector<16xi1>, vector<16xf32>
      %dma_wait3A_254 = arith.constant 0 : i32
      %dma_wait3A_255 = tpu.memref_slice %arg2[%dma_wait3A_254] : memref<163840xf32, #tpu.memory_space<hbm>> -> memref<163840xf32, #tpu.memory_space<hbm>>
      tpu.wait_indirect_dma semaphore(%arg24 : memref<!tpu.dma_semaphore, #tpu.memory_space<semaphore_mem>>) src(%dma_wait3A_255 : memref<163840xf32, #tpu.memory_space<hbm>>) dst(%arg17 : memref<64xf32, #tpu.memory_space<vmem>>)
      %swap3A_256 = arith.constant 0 : index
      %swap3A_257 = tpu.vector_load %arg18[%swap3A_256] {strides = array<i32>} : memref<160xf32, #tpu.memory_space<vmem>>, vector<16xf32>,
      tpu.vector_store %arg18[%swap3A_256], %select_n3A_234 {strides = array<i32>} : memref<160xf32, #tpu.memory_space<vmem>>, vector<16xf32>,
      %get3A_258 = arith.constant 0 : index
      %get3A_259 = tpu.vector_load %arg17[%get3A_258] {strides = array<i32>} : memref<64xf32, #tpu.memory_space<vmem>>, vector<16xf32>,
      %swap3A_260 = arith.constant 16 : index
      %swap3A_261 = tpu.vector_load %arg18[%swap3A_260] {strides = array<i32>} : memref<160xf32, #tpu.memory_space<vmem>>, vector<16xf32>,
      tpu.vector_store %arg18[%swap3A_260], %get3A_259 {strides = array<i32>} : memref<160xf32, #tpu.memory_space<vmem>>, vector<16xf32>,
      %get3A_262 = arith.constant 16 : index
      %get3A_263 = tpu.vector_load %arg17[%get3A_262] {strides = array<i32>} : memref<64xf32, #tpu.memory_space<vmem>>, vector<16xf32>,
      %swap3A_264 = arith.constant 32 : index
      %swap3A_265 = tpu.vector_load %arg18[%swap3A_264] {strides = array<i32>} : memref<160xf32, #tpu.memory_space<vmem>>, vector<16xf32>,
      tpu.vector_store %arg18[%swap3A_264], %get3A_263 {strides = array<i32>} : memref<160xf32, #tpu.memory_space<vmem>>, vector<16xf32>,
      %get3A_266 = arith.constant 32 : index
      %get3A_267 = tpu.vector_load %arg17[%get3A_266] {strides = array<i32>} : memref<64xf32, #tpu.memory_space<vmem>>, vector<16xf32>,
      %swap3A_268 = arith.constant 48 : index
      %swap3A_269 = tpu.vector_load %arg18[%swap3A_268] {strides = array<i32>} : memref<160xf32, #tpu.memory_space<vmem>>, vector<16xf32>,
      tpu.vector_store %arg18[%swap3A_268], %get3A_267 {strides = array<i32>} : memref<160xf32, #tpu.memory_space<vmem>>, vector<16xf32>,
      %get3A_270 = arith.constant 48 : index
      %get3A_271 = tpu.vector_load %arg17[%get3A_270] {strides = array<i32>} : memref<64xf32, #tpu.memory_space<vmem>>, vector<16xf32>,
      %swap3A_272 = arith.constant 64 : index
      %swap3A_273 = tpu.vector_load %arg18[%swap3A_272] {strides = array<i32>} : memref<160xf32, #tpu.memory_space<vmem>>, vector<16xf32>,
      tpu.vector_store %arg18[%swap3A_272], %get3A_271 {strides = array<i32>} : memref<160xf32, #tpu.memory_space<vmem>>, vector<16xf32>,
      %swap3A_274 = arith.constant 80 : index
      %swap3A_275 = tpu.vector_load %arg18[%swap3A_274] {strides = array<i32>} : memref<160xf32, #tpu.memory_space<vmem>>, vector<16xf32>,
      tpu.vector_store %arg18[%swap3A_274], %select_n3A_249 {strides = array<i32>} : memref<160xf32, #tpu.memory_space<vmem>>, vector<16xf32>,
      %swap3A_276 = arith.constant 96 : index
      %swap3A_277 = tpu.vector_load %arg18[%swap3A_276] {strides = array<i32>} : memref<160xf32, #tpu.memory_space<vmem>>, vector<16xf32>,
      tpu.vector_store %arg18[%swap3A_276], %select_n3A_253 {strides = array<i32>} : memref<160xf32, #tpu.memory_space<vmem>>, vector<16xf32>,
      %mul3A_278 = arith.mulf %select_n3A_245, %select_n3A_249 : vector<16xf32>
      %swap3A_279 = arith.constant 112 : index
      %swap3A_280 = tpu.vector_load %arg18[%swap3A_279] {strides = array<i32>} : memref<160xf32, #tpu.memory_space<vmem>>, vector<16xf32>,
      tpu.vector_store %arg18[%swap3A_279], %mul3A_278 {strides = array<i32>} : memref<160xf32, #tpu.memory_space<vmem>>, vector<16xf32>,
      %mul3A_281 = arith.mulf %select_n3A_245, %select_n3A_253 : vector<16xf32>
      %swap3A_282 = arith.constant 128 : index
      %swap3A_283 = tpu.vector_load %arg18[%swap3A_282] {strides = array<i32>} : memref<160xf32, #tpu.memory_space<vmem>>, vector<16xf32>,
      tpu.vector_store %arg18[%swap3A_282], %mul3A_281 {strides = array<i32>} : memref<160xf32, #tpu.memory_space<vmem>>, vector<16xf32>,
      %min3A_284 = arith.constant 2.000000e+00 : f32
      %min3A_285 = vector.broadcast %min3A_284 : f32 to vector<16xf32>
      %min3A_286 = arith.minimumf %convert_element_type3A_235, %min3A_285 : vector<16xf32>
      %min3A_287 = arith.constant 2.000000e+00 : f32
      %min3A_288 = vector.broadcast %min3A_287 : f32 to vector<16xf32>
      %min3A_289 = arith.minimumf %sub3A_238, %min3A_288 : vector<16xf32>
      %mul3A_290 = arith.mulf %min3A_286, %min3A_289 : vector<16xf32>
      %swap3A_291 = arith.constant 144 : index
      %swap3A_292 = tpu.vector_load %arg18[%swap3A_291] {strides = array<i32>} : memref<160xf32, #tpu.memory_space<vmem>>, vector<16xf32>,
      tpu.vector_store %arg18[%swap3A_291], %mul3A_290 {strides = array<i32>} : memref<160xf32, #tpu.memory_space<vmem>>, vector<16xf32>,
      "tpu.region"() ({
        %run_scoped3A = tpu.sem_alloc : memref<!tpu.dma_semaphore, #tpu.memory_space<semaphore_mem>>
        tpu.enqueue_dma source(%arg18 : memref<160xf32, #tpu.memory_space<vmem>>) target(%arg19 : memref<160xf32, #tpu.memory_space<vmem_shared>>) target_semaphore(%run_scoped3A : memref<!tpu.dma_semaphore, #tpu.memory_space<semaphore_mem>>)
        tpu.wait_dma2 semaphore(%run_scoped3A : memref<!tpu.dma_semaphore, #tpu.memory_space<semaphore_mem>>) src(%arg18 : memref<160xf32, #tpu.memory_space<vmem>>) dst(%arg19 : memref<160xf32, #tpu.memory_space<vmem_shared>>)
        tpu.yield
      }) : () -> ()
    } else {
    }
    %barrier3A_90 = arith.constant 0 : index
    tpu.barrier barrier_id(%barrier3A_90)
    "tpu.region"() ({
      %run_scoped3A = tpu.sem_alloc : memref<!tpu.dma_semaphore, #tpu.memory_space<semaphore_mem>>
      tpu.enqueue_dma source(%arg19 : memref<160xf32, #tpu.memory_space<vmem_shared>>) target(%arg18 : memref<160xf32, #tpu.memory_space<vmem>>) target_semaphore(%run_scoped3A : memref<!tpu.dma_semaphore, #tpu.memory_space<semaphore_mem>>)
      tpu.wait_dma2 semaphore(%run_scoped3A : memref<!tpu.dma_semaphore, #tpu.memory_space<semaphore_mem>>) src(%arg19 : memref<160xf32, #tpu.memory_space<vmem_shared>>) dst(%arg18 : memref<160xf32, #tpu.memory_space<vmem>>)
      tpu.yield
    }) : () -> ()
    %mul3A_91 = arith.constant 32 : i32
    %mul3A_92 = arith.muli %arg0, %mul3A_91 : i32
    %broadcast_in_dim3A_93 = arith.constant 0.000000e+00 : f32
    %broadcast_in_dim3A_94 = vector.broadcast %broadcast_in_dim3A_93 : f32 to vector<16xf32>
    %scan3A_95 = arith.constant 0 : i32
    %scan3A_96 = arith.constant 32 : i32
    %scan3A_97 = arith.addi %scan3A_95, %scan3A_96 : i32
    %scan3A_98 = arith.constant 1 : i32
    %scan3A_99:2 = scf.for %scan3A_113 = %scan3A_95 to %scan3A_97 step %scan3A_98 iter_args(%scan3A_114 = %broadcast_in_dim3A_94, %scan3A_115 = %broadcast_in_dim3A_94) -> (vector<16xf32>, vector<16xf32>)  : i32 {
      %add3A_116 = arith.addi %mul3A_92, %scan3A_113 : i32
      %mul3A_117 = arith.constant 16 : i32
      %mul3A_118 = arith.muli %add3A_116, %mul3A_117 : i32
      %get3A = arith.index_cast %mul3A_118 : i32 to index
      %get3A_119 = tpu.vector_load %arg7[%get3A] {strides = array<i32>} : memref<1024xf32, #tpu.memory_space<vmem>>, vector<16xf32>,
      %get3A_120 = arith.index_cast %mul3A_118 : i32 to index
      %get3A_121 = tpu.vector_load %arg8[%get3A_120] {strides = array<i32>} : memref<1024xf32, #tpu.memory_space<vmem>>, vector<16xf32>,
      %get3A_122 = arith.index_cast %mul3A_118 : i32 to index
      %get3A_123 = tpu.vector_load %arg6[%get3A_122] {strides = array<i32>} : memref<1024xi32, #tpu.memory_space<vmem>>, vector<16xi32>,
      %add3A_124 = arith.constant 0 : i32
      %add3A_125 = vector.broadcast %add3A_124 : i32 to vector<16xi32>
      %add3A_126 = arith.addi %get3A_123, %add3A_125 : vector<16xi32>
      %gather3A = tpu.vector_load_idx %arg18[%add3A_126] : memref<160xf32, #tpu.memory_space<vmem>>[vector<16xi32>], vector<16xf32>,
      %add3A_127 = arith.constant 16 : i32
      %add3A_128 = vector.broadcast %add3A_127 : i32 to vector<16xi32>
      %add3A_129 = arith.addi %get3A_123, %add3A_128 : vector<16xi32>
      %gather3A_130 = tpu.vector_load_idx %arg18[%add3A_129] : memref<160xf32, #tpu.memory_space<vmem>>[vector<16xi32>], vector<16xf32>,
      %add3A_131 = arith.constant 32 : i32
      %add3A_132 = vector.broadcast %add3A_131 : i32 to vector<16xi32>
      %add3A_133 = arith.addi %get3A_123, %add3A_132 : vector<16xi32>
      %gather3A_134 = tpu.vector_load_idx %arg18[%add3A_133] : memref<160xf32, #tpu.memory_space<vmem>>[vector<16xi32>], vector<16xf32>,
      %add3A_135 = arith.constant 48 : i32
      %add3A_136 = vector.broadcast %add3A_135 : i32 to vector<16xi32>
      %add3A_137 = arith.addi %get3A_123, %add3A_136 : vector<16xi32>
      %gather3A_138 = tpu.vector_load_idx %arg18[%add3A_137] : memref<160xf32, #tpu.memory_space<vmem>>[vector<16xi32>], vector<16xf32>,
      %add3A_139 = arith.constant 64 : i32
      %add3A_140 = vector.broadcast %add3A_139 : i32 to vector<16xi32>
      %add3A_141 = arith.addi %get3A_123, %add3A_140 : vector<16xi32>
      %gather3A_142 = tpu.vector_load_idx %arg18[%add3A_141] : memref<160xf32, #tpu.memory_space<vmem>>[vector<16xi32>], vector<16xf32>,
      %add3A_143 = arith.constant 80 : i32
      %add3A_144 = vector.broadcast %add3A_143 : i32 to vector<16xi32>
      %add3A_145 = arith.addi %get3A_123, %add3A_144 : vector<16xi32>
      %gather3A_146 = tpu.vector_load_idx %arg18[%add3A_145] : memref<160xf32, #tpu.memory_space<vmem>>[vector<16xi32>], vector<16xf32>,
      %add3A_147 = arith.constant 96 : i32
      %add3A_148 = vector.broadcast %add3A_147 : i32 to vector<16xi32>
      %add3A_149 = arith.addi %get3A_123, %add3A_148 : vector<16xi32>
      %gather3A_150 = tpu.vector_load_idx %arg18[%add3A_149] : memref<160xf32, #tpu.memory_space<vmem>>[vector<16xi32>], vector<16xf32>,
      %add3A_151 = arith.constant 112 : i32
      %add3A_152 = vector.broadcast %add3A_151 : i32 to vector<16xi32>
      %add3A_153 = arith.addi %get3A_123, %add3A_152 : vector<16xi32>
      %gather3A_154 = tpu.vector_load_idx %arg18[%add3A_153] : memref<160xf32, #tpu.memory_space<vmem>>[vector<16xi32>], vector<16xf32>,
      %add3A_155 = arith.constant 128 : i32
      %add3A_156 = vector.broadcast %add3A_155 : i32 to vector<16xi32>
      %add3A_157 = arith.addi %get3A_123, %add3A_156 : vector<16xi32>
      %gather3A_158 = tpu.vector_load_idx %arg18[%add3A_157] : memref<160xf32, #tpu.memory_space<vmem>>[vector<16xi32>], vector<16xf32>,
      %add3A_159 = arith.constant 144 : i32
      %add3A_160 = vector.broadcast %add3A_159 : i32 to vector<16xi32>
      %add3A_161 = arith.addi %get3A_123, %add3A_160 : vector<16xi32>
      %gather3A_162 = tpu.vector_load_idx %arg18[%add3A_161] : memref<160xf32, #tpu.memory_space<vmem>>[vector<16xi32>], vector<16xf32>,
      %sub3A_163 = arith.subf %get3A_119, %gather3A_130 : vector<16xf32>
      %abs3A = math.absf %sub3A_163 : vector<16xf32>
      %sub3A_164 = arith.subf %get3A_119, %gather3A_134 : vector<16xf32>
      %abs3A_165 = math.absf %sub3A_164 : vector<16xf32>
      %sub3A_166 = arith.subf %get3A_119, %gather3A_138 : vector<16xf32>
      %sub3A_167 = arith.subf %get3A_119, %gather3A_142 : vector<16xf32>
      %sub3A_168 = arith.subf %abs3A, %sub3A_166 : vector<16xf32>
      %add3A_169 = arith.constant 1.250000e+00 : f32
      %add3A_170 = vector.broadcast %add3A_169 : f32 to vector<16xf32>
      %add3A_171 = arith.addf %sub3A_168, %add3A_170 : vector<16xf32>
      %max3A = arith.constant 0.000000e+00 : f32
      %max3A_172 = vector.broadcast %max3A : f32 to vector<16xf32>
      %max3A_173 = arith.maximumf %add3A_171, %max3A_172 : vector<16xf32>
      %mul3A_174 = arith.mulf %max3A_173, %gather3A_146 : vector<16xf32>
      %sub3A_175 = arith.subf %abs3A, %sub3A_167 : vector<16xf32>
      %add3A_176 = arith.constant 1.250000e+00 : f32
      %add3A_177 = vector.broadcast %add3A_176 : f32 to vector<16xf32>
      %add3A_178 = arith.addf %sub3A_175, %add3A_177 : vector<16xf32>
      %max3A_179 = arith.constant 0.000000e+00 : f32
      %max3A_180 = vector.broadcast %max3A_179 : f32 to vector<16xf32>
      %max3A_181 = arith.maximumf %add3A_178, %max3A_180 : vector<16xf32>
      %mul3A_182 = arith.mulf %max3A_181, %gather3A_150 : vector<16xf32>
      %add3A_183 = arith.addf %mul3A_174, %mul3A_182 : vector<16xf32>
      %sub3A_184 = arith.subf %abs3A_165, %sub3A_166 : vector<16xf32>
      %add3A_185 = arith.constant 1.250000e+00 : f32
      %add3A_186 = vector.broadcast %add3A_185 : f32 to vector<16xf32>
      %add3A_187 = arith.addf %sub3A_184, %add3A_186 : vector<16xf32>
      %max3A_188 = arith.constant 0.000000e+00 : f32
      %max3A_189 = vector.broadcast %max3A_188 : f32 to vector<16xf32>
      %max3A_190 = arith.maximumf %add3A_187, %max3A_189 : vector<16xf32>
      %mul3A_191 = arith.mulf %max3A_190, %gather3A_154 : vector<16xf32>
      %add3A_192 = arith.addf %add3A_183, %mul3A_191 : vector<16xf32>
      %sub3A_193 = arith.subf %abs3A_165, %sub3A_167 : vector<16xf32>
      %add3A_194 = arith.constant 1.250000e+00 : f32
      %add3A_195 = vector.broadcast %add3A_194 : f32 to vector<16xf32>
      %add3A_196 = arith.addf %sub3A_193, %add3A_195 : vector<16xf32>
      %max3A_197 = arith.constant 0.000000e+00 : f32
      %max3A_198 = vector.broadcast %max3A_197 : f32 to vector<16xf32>
      %max3A_199 = arith.maximumf %add3A_196, %max3A_198 : vector<16xf32>
      %mul3A_200 = arith.mulf %max3A_199, %gather3A_158 : vector<16xf32>
      %add3A_201 = arith.addf %add3A_192, %mul3A_200 : vector<16xf32>
      %mul3A_202 = arith.mulf %get3A_121, %gather3A : vector<16xf32>
      %mul3A_203 = arith.mulf %mul3A_202, %add3A_201 : vector<16xf32>
      %add3A_204 = arith.addf %scan3A_114, %mul3A_203 : vector<16xf32>
      %mul3A_205 = arith.mulf %mul3A_202, %gather3A_162 : vector<16xf32>
      %add3A_206 = arith.addf %scan3A_115, %mul3A_205 : vector<16xf32>
      scf.yield %add3A_204, %add3A_206 : vector<16xf32>, vector<16xf32>
    }
    %scan3A_100 = arith.constant 32 : i32
    %swap3A_101 = arith.constant 0 : index
    %swap3A_102 = tpu.vector_load %arg20[%swap3A_101] {strides = array<i32>} : memref<32xf32, #tpu.memory_space<vmem>>, vector<16xf32>,
    tpu.vector_store %arg20[%swap3A_101], %scan3A_99#0 {strides = array<i32>} : memref<32xf32, #tpu.memory_space<vmem>>, vector<16xf32>,
    %swap3A_103 = arith.constant 16 : index
    %swap3A_104 = tpu.vector_load %arg20[%swap3A_103] {strides = array<i32>} : memref<32xf32, #tpu.memory_space<vmem>>, vector<16xf32>,
    tpu.vector_store %arg20[%swap3A_103], %scan3A_99#1 {strides = array<i32>} : memref<32xf32, #tpu.memory_space<vmem>>, vector<16xf32>,
    %mul3A_105 = arith.constant 32 : i32
    %mul3A_106 = arith.muli %arg1, %mul3A_105 : i32
    "tpu.region"() ({
      %run_scoped3A = tpu.sem_alloc : memref<!tpu.dma_semaphore, #tpu.memory_space<semaphore_mem>>
      %dma_start3A_113 = tpu.memref_slice %arg21[%mul3A_106] : memref<512xf32, #tpu.memory_space<vmem_shared>> -> memref<32xf32, #tpu.memory_space<vmem_shared>>
      %dma_start3A_114 = tpu.memref_slice %arg21[%mul3A_106] : memref<512xf32, #tpu.memory_space<vmem_shared>> -> memref<32xf32, #tpu.memory_space<vmem_shared>>
      tpu.enqueue_dma source(%arg20 : memref<32xf32, #tpu.memory_space<vmem>>) target(%dma_start3A_114 : memref<32xf32, #tpu.memory_space<vmem_shared>>) target_semaphore(%run_scoped3A : memref<!tpu.dma_semaphore, #tpu.memory_space<semaphore_mem>>)
      %dma_wait3A_115 = tpu.memref_slice %arg21[%mul3A_106] : memref<512xf32, #tpu.memory_space<vmem_shared>> -> memref<32xf32, #tpu.memory_space<vmem_shared>>
      %dma_wait3A_116 = tpu.memref_slice %arg21[%mul3A_106] : memref<512xf32, #tpu.memory_space<vmem_shared>> -> memref<32xf32, #tpu.memory_space<vmem_shared>>
      tpu.wait_dma2 semaphore(%run_scoped3A : memref<!tpu.dma_semaphore, #tpu.memory_space<semaphore_mem>>) src(%arg20 : memref<32xf32, #tpu.memory_space<vmem>>) dst(%dma_wait3A_116 : memref<32xf32, #tpu.memory_space<vmem_shared>>)
      tpu.yield
    }) : () -> ()
    %barrier3A_107 = arith.constant 0 : index
    tpu.barrier barrier_id(%barrier3A_107)
    %eq3A_108 = arith.constant 0 : i32
    %eq3A_109 = arith.cmpi eq, %arg1, %eq3A_108 : i32
    %convert_element_type3A_110 = arith.extui %eq3A_109 : i1 to i32
    %cond3A_111 = arith.constant 0 : i32
    %cond3A_112 = arith.cmpi ne, %convert_element_type3A_110, %cond3A_111 : i32
    scf.if %cond3A_112 {
      "tpu.region"() ({
        %run_scoped3A = tpu.sem_alloc : memref<!tpu.dma_semaphore, #tpu.memory_space<semaphore_mem>>
        tpu.enqueue_dma source(%arg21 : memref<512xf32, #tpu.memory_space<vmem_shared>>) target(%arg22 : memref<512xf32, #tpu.memory_space<vmem>>) target_semaphore(%run_scoped3A : memref<!tpu.dma_semaphore, #tpu.memory_space<semaphore_mem>>)
        tpu.wait_dma2 semaphore(%run_scoped3A : memref<!tpu.dma_semaphore, #tpu.memory_space<semaphore_mem>>) src(%arg21 : memref<512xf32, #tpu.memory_space<vmem_shared>>) dst(%arg22 : memref<512xf32, #tpu.memory_space<vmem>>)
        tpu.yield
      }) : () -> ()
      %get3A = arith.constant 0 : index
      %get3A_113 = tpu.vector_load %arg22[%get3A] {strides = array<i32>} : memref<512xf32, #tpu.memory_space<vmem>>, vector<16xf32>,
      %get3A_114 = arith.constant 16 : index
      %get3A_115 = tpu.vector_load %arg22[%get3A_114] {strides = array<i32>} : memref<512xf32, #tpu.memory_space<vmem>>, vector<16xf32>,
      %scan3A_116 = arith.constant 1 : i32
      %scan3A_117 = arith.constant 15 : i32
      %scan3A_118 = arith.addi %scan3A_116, %scan3A_117 : i32
      %scan3A_119 = arith.constant 1 : i32
      %scan3A_120:2 = scf.for %scan3A_143 = %scan3A_116 to %scan3A_118 step %scan3A_119 iter_args(%scan3A_144 = %get3A_113, %scan3A_145 = %get3A_115) -> (vector<16xf32>, vector<16xf32>)  : i32 {
        %mul3A_146 = arith.constant 32 : i32
        %mul3A_147 = arith.muli %scan3A_143, %mul3A_146 : i32
        %get3A_148 = arith.index_cast %mul3A_147 : i32 to index
        %get3A_149 = tpu.vector_load %arg22[%get3A_148] {strides = array<i32>} : memref<512xf32, #tpu.memory_space<vmem>>, vector<16xf32>,
        %add3A_150 = arith.addf %scan3A_144, %get3A_149 : vector<16xf32>
        %mul3A_151 = arith.constant 32 : i32
        %mul3A_152 = arith.muli %scan3A_143, %mul3A_151 : i32
        %add3A_153 = arith.constant 16 : i32
        %add3A_154 = arith.addi %mul3A_152, %add3A_153 : i32
        %get3A_155 = arith.index_cast %add3A_154 : i32 to index
        %get3A_156 = tpu.vector_load %arg22[%get3A_155] {strides = array<i32>} : memref<512xf32, #tpu.memory_space<vmem>>, vector<16xf32>,
        %add3A_157 = arith.addf %scan3A_145, %get3A_156 : vector<16xf32>
        scf.yield %add3A_150, %add3A_157 : vector<16xf32>, vector<16xf32>
      }
      %scan3A_121 = arith.constant 15 : i32
      %reduce_sum3A = arith.constant true
      %reduce_sum3A_122 = vector.broadcast %reduce_sum3A : i1 to vector<16xi1>
      %reduce_sum3A_123 = tpu.scan <sum>, %scan3A_120#0 masked %reduce_sum3A_122 : vector<16xf32>, vector<16xi1> -> vector<16xf32>
      %reduce_sum3A_124 = vector.extract %reduce_sum3A_123[15] : f32 from vector<16xf32>
      %reduce_sum3A_125 = arith.constant true
      %reduce_sum3A_126 = vector.broadcast %reduce_sum3A_125 : i1 to vector<16xi1>
      %reduce_sum3A_127 = tpu.scan <sum>, %scan3A_120#1 masked %reduce_sum3A_126 : vector<16xf32>, vector<16xi1> -> vector<16xf32>
      %reduce_sum3A_128 = vector.extract %reduce_sum3A_127[15] : f32 from vector<16xf32>
      %eq3A_129 = arith.constant 0 : i32
      %eq3A_130 = vector.broadcast %eq3A_129 : i32 to vector<16xi32>
      %eq3A_131 = arith.cmpi eq, %iota3A, %eq3A_130 : vector<16xi32>
      %eq3A_132 = arith.constant 1 : i32
      %eq3A_133 = vector.broadcast %eq3A_132 : i32 to vector<16xi32>
      %eq3A_134 = arith.cmpi eq, %iota3A, %eq3A_133 : vector<16xi32>
      %jit3A = arith.constant 0.000000e+00 : f32
      %broadcast_in_dim3A_135 = vector.broadcast %reduce_sum3A_128 : f32 to vector<16xf32>
      %broadcast_in_dim3A_136 = vector.broadcast %jit3A : f32 to vector<16xf32>
      %select_n3A = arith.select %eq3A_134, %broadcast_in_dim3A_135, %broadcast_in_dim3A_136 : vector<16xi1>, vector<16xf32>
      %broadcast_in_dim3A_137 = vector.broadcast %reduce_sum3A_124 : f32 to vector<16xf32>
      %select_n3A_138 = arith.select %eq3A_131, %broadcast_in_dim3A_137, %select_n3A : vector<16xi1>, vector<16xf32>
      %swap3A_139 = arith.constant 0 : index
      %swap3A_140 = tpu.vector_load %arg23[%swap3A_139] {strides = array<i32>} : memref<16xf32, #tpu.memory_space<vmem>>, vector<16xf32>,
      tpu.vector_store %arg23[%swap3A_139], %select_n3A_138 {strides = array<i32>} : memref<16xf32, #tpu.memory_space<vmem>>, vector<16xf32>,
      %mul3A_141 = arith.constant 16 : i32
      %mul3A_142 = arith.muli %arg0, %mul3A_141 : i32
      "tpu.region"() ({
        %run_scoped3A = tpu.sem_alloc : memref<!tpu.dma_semaphore, #tpu.memory_space<semaphore_mem>>
        %dma_start3A_143 = tpu.memref_slice %arg4[%mul3A_142] : memref<32xf32, #tpu.memory_space<hbm>> -> memref<16xf32, #tpu.memory_space<hbm>>
        %dma_start3A_144 = tpu.memref_slice %arg4[%mul3A_142] : memref<32xf32, #tpu.memory_space<hbm>> -> memref<16xf32, #tpu.memory_space<hbm>>
        tpu.enqueue_dma source(%arg23 : memref<16xf32, #tpu.memory_space<vmem>>) target(%dma_start3A_144 : memref<16xf32, #tpu.memory_space<hbm>>) target_semaphore(%run_scoped3A : memref<!tpu.dma_semaphore, #tpu.memory_space<semaphore_mem>>)
        %dma_wait3A_145 = tpu.memref_slice %arg4[%mul3A_142] : memref<32xf32, #tpu.memory_space<hbm>> -> memref<16xf32, #tpu.memory_space<hbm>>
        %dma_wait3A_146 = tpu.memref_slice %arg4[%mul3A_142] : memref<32xf32, #tpu.memory_space<hbm>> -> memref<16xf32, #tpu.memory_space<hbm>>
        tpu.wait_dma2 semaphore(%run_scoped3A : memref<!tpu.dma_semaphore, #tpu.memory_space<semaphore_mem>>) src(%arg23 : memref<16xf32, #tpu.memory_space<vmem>>) dst(%dma_wait3A_146 : memref<16xf32, #tpu.memory_space<hbm>>)
        tpu.yield
      }) : () -> ()
    } else {
    }
    return
  }
}

</mosaic_0001>

<sc_bundles>
// kernel: kernel.3.cloned.1.call-start
scs
__scs_entry_jumppad:
0x0: {  	(pc) =	sbr.rel $0x88, $3  }
0x1: {  	(tag) =	ssettag $0x0;
	lr =	simm.s32 $0x1  }
0x2: {  	[smem:$0x3F9F] =	sst lr;
	_ =	strace $0xD0000000  }
0x3: {  	_ = 	snop  }
0x4: {  	_ = 	snop  }
0x5: {  	_ = 	snop  }
0x6: {  	_ = 	snop  }
0x7: {  	_ = 	snop  }
__scs_overlays_trampoline_lowered:
0x8: {  	[smem:$0x3FAE] =	sst s0  }
0x9: {  	[smem:$0x3FAF] =	sst s1  }
0xa: {  	[smem:$0x3FB0] =	sst s2  }
0xb: {  	[smem:$0x3FB1] =	sst s3  }
0xc: {  	[smem:$0x3FB2] =	sst s4  }
0xd: {  	[smem:$0x3FB3] =	sst s5  }
0xe: {  	[smem:$0x3FB4] =	sst s6  }
0xf: {  	[smem:$0x3FB5] =	sst s7  }
0x10: {  	[smem:$0x3FB6] =	sst s8  }
0x11: {  	[smem:$0x3FB7] =	sst s9;
	s0 =	simm.s32 @!p0 $0x0  }
0x12: {  	s1 =	sld [smem:$0x3F9D];
	s0 =	simm.s32 @p0 $0x1  }
0x13: {  	[smem:$0x3FB8] =	sst s0;
	s0 =	simm.s32 @!p1 $0x0  }
0x14: {  	s2 =	sld [smem:$0x3F9C];
	s0 =	simm.s32 @p1 $0x1  }
0x15: {  	[smem:$0x3FB9] =	sst s0;
	s0 =	simm.s32 @!p2 $0x0  }
0x16: {  	s3 =	sld [smem:$0x3FDB];
	s0 =	simm.s32 @p2 $0x1  }
0x17: {  	s4 =	simm.s32 $0x1BF5;
	[smem:$0x3FBB] =	sst s0  }
0x18: {  	s0 =	sld [smem:$0x3F9E];
	_ =	swait.ge [sflag:s4], $0x0  }
0x19: {  	s7 =	sld [smem:$0x3F9F]  }
0x1a: {  	s8 =	sadd.s32 $0xFFFFE003, lr  }
0x1b: {  	s9 =	sadd.s32 $0xFFFFFEF7, lr;
	s5 =	simm.s32 $0xFFFFFFFF;
	p2 =	slt.u32 s8, $0xFFFFF086  }
0x1c: {  	p1 =	slt.u32 s9, $0xF7A;
	s5 =	simm.s32 @!p2 $0x0  }
0x1d: {  	s5 =	simm.s32 @p1 $0x1;
	p0 =	seq.s32 s7, s2  }
0x1e: {  	s7 =	smul.u32 @!p0 $0xF7A, s2;
	p2 =	seq.s32 @!p0 s5, $0x0  }
0x1f: {  	s9 =	smul.u32 $0xF7A, s1;
	s8 =	simm.s32 @!p0 $0x1BF5;
	p2 =	por !p2, p0  }
0x20: {  	[sflag:s8] =	ssyncset.s32 @!p0 $0xFFFFF086;
	s6 =	sadd.s32 @!p0 s3, s7;
	s7 =	simm.s32 @!p0 $0x108  }
0x21: {  	s3 =	sadd.s32 s3, s9;
	s6 =	sadd.s32 @!p0 $0x88, s6;
	s7 =	simm.s32 @p2 $0x1082  }
0x22: {  	[simem:s7], [sflag:s8] =	dma.local @!p0 [hbm:s6], $0xF7A  }
0x23: {  	s9 =	sor.u32 $0xD0000000, s2;
	s6 =	simm.s32 $0x108;
	_ =	swait.ge @!p0 [sflag:s8], $0x0  }
0x24: {  	s3 =	sadd.s32 $0x88, s3;
	s6 =	simm.s32 @!p1 $0x1082;
	[sflag:s4] =	ssyncset.s32 $0xFFFFF086  }
0x25: {  	[simem:s6], [sflag:s4] =	dma.local [hbm:s3], $0xF7A  }
0x26: {  	[smem:$0x3F9F] =	sst s1;
	(tag) =	ssettag s2;
	_ =	strace s9  }
0x27: {  	s1 =	sld [smem:$0x3FAF]  }
0x28: {  	s2 =	sld [smem:$0x3FB0]  }
0x29: {  	s4 =	sld [smem:$0x3FB2]  }
0x2a: {  	p0 =	seq.s32 s5, $0x0;
	s5 =	sld [smem:$0x3FB3]  }
0x2b: {  	s6 =	sld [smem:$0x3FB4]  }
0x2c: {  	s7 =	sld [smem:$0x3FB5]  }
0x2d: {  	s3 =	simm.s32 $0x108;
	s8 =	sld [smem:$0x3FB6]  }
0x2e: {  	s3 =	simm.s32 @!p0 $0x1082;
	s9 =	sld [smem:$0x3FB7]  }
0x2f: {  	lr =	sadd.s32 s0, s3;
	s0 =	sld [smem:$0x3FAE]  }
0x30: {  	s3 =	sld [smem:$0x3FB1]  }
0x31: {  	[smem:$0x3FBA] =	sst s10  }
0x32: {  	s10 =	sld [smem:$0x3FB8];
	_ =	sdelay $0x3  }
0x33: {  	p0 =	seq.s32 s10, $0x1;
	s10 =	sld [smem:$0x3FBA];
	_ =	sdelay $0x3  }
0x34: {  	[smem:$0x3FBA] =	sst s10  }
0x35: {  	s10 =	sld [smem:$0x3FB9];
	_ =	sdelay $0x3  }
0x36: {  	p1 =	seq.s32 s10, $0x1;
	s10 =	sld [smem:$0x3FBA];
	_ =	sdelay $0x3  }
0x37: {  	[smem:$0x3FBA] =	sst s10  }
0x38: {  	s10 =	sld [smem:$0x3FBB]  }
0x39: {  	_ = 	snop;
	(pc) =	sbr.ind lr, $3  }
0x3a: {  	_ = 	snop  }
0x3b: {  	_ = 	snop  }
0x3c: {  	p2 =	seq.s32 s10, $0x1;
	s10 =	sld [smem:$0x3FBA]  }
0x3d: {  	_ =	shalt  }
0x3e: {  	_ =	shalt  }
0x3f: {  	_ =	shalt  }
0x40: {  	_ =	shalt  }
0x41: {  	_ =	shalt  }
0x42: {  	_ =	shalt  }
0x43: {  	_ =	shalt  }
0x44: {  	_ =	shalt  }
0x45: {  	_ =	shalt  }
0x46: {  	_ =	shalt  }
0x47: {  	_ =	shalt  }
0x48: {  	_ =	shalt  }
0x49: {  	_ =	shalt  }
0x4a: {  	_ =	shalt  }
0x4b: {  	_ =	shalt  }
0x4c: {  	_ =	shalt  }
0x4d: {  	_ =	shalt  }
0x4e: {  	_ =	shalt  }
0x4f: {  	_ =	shalt  }
0x50: {  	_ =	shalt  }
0x51: {  	_ =	shalt  }
0x52: {  	_ =	shalt  }
0x53: {  	_ =	shalt  }
0x54: {  	_ =	shalt  }
0x55: {  	_ =	shalt  }
0x56: {  	_ =	shalt  }
0x57: {  	_ =	shalt  }
0x58: {  	_ =	shalt  }
0x59: {  	_ =	shalt  }
0x5a: {  	_ =	shalt  }
0x5b: {  	_ =	shalt  }
0x5c: {  	_ =	shalt  }
0x5d: {  	_ =	shalt  }
0x5e: {  	_ =	shalt  }
0x5f: {  	_ =	shalt  }
0x60: {  	_ =	shalt  }
0x61: {  	_ =	shalt  }
0x62: {  	_ =	shalt  }
0x63: {  	_ =	shalt  }
0x64: {  	_ =	shalt  }
0x65: {  	_ =	shalt  }
0x66: {  	_ =	shalt  }
0x67: {  	_ =	shalt  }
0x68: {  	_ =	shalt  }
0x69: {  	_ =	shalt  }
0x6a: {  	_ =	shalt  }
0x6b: {  	_ =	shalt  }
0x6c: {  	_ =	shalt  }
0x6d: {  	_ =	shalt  }
0x6e: {  	_ =	shalt  }
0x6f: {  	_ =	shalt  }
0x70: {  	_ =	shalt  }
0x71: {  	_ =	shalt  }
0x72: {  	_ =	shalt  }
0x73: {  	_ =	shalt  }
0x74: {  	_ =	shalt  }
0x75: {  	_ =	shalt  }
0x76: {  	_ =	shalt  }
0x77: {  	_ =	shalt  }
0x78: {  	_ =	shalt  }
0x79: {  	_ =	shalt  }
0x7a: {  	_ =	shalt  }
0x7b: {  	_ =	shalt  }
0x7c: {  	_ =	shalt  }
0x7d: {  	_ =	shalt  }
0x7e: {  	_ =	shalt  }
0x7f: {  	_ =	shalt  }
0x80: {  	_ =	shalt  }
0x81: {  	_ =	shalt  }
0x82: {  	_ =	shalt  }
0x83: {  	_ =	shalt  }
0x84: {  	_ =	shalt  }
0x85: {  	_ =	shalt  }
0x86: {  	_ =	shalt  }
0x87: {  	_ =	shalt  }
.Lfunc_end0:
.L_simem_size_0:
called_computation_lowered:
.L_overlay_start_0:
0x88: {  	s2 =	sld [smem:$0x3FD9]  }
0x89: {  	s3 =	sld [smem:$0x3FFE];
	_ =	sdelay $0x1  }
0x8a: {  	s1 =	srdreg.scid  }
0x8b: {  	s0 =	sand.u32 $0x1, s1  }
0x8c: {  	s17 =	sshll.u32 s0, $0xA;
	s2 =	sadd.s32 s3, s2  }
0x8d: {  	s2 =	sadd.s32 s2, s17  }
0x8e: {  	[smem:$0x3FC6] =	sst s2  }
0x8f: {  	_ = 	snop  }
0x90: {  	s2 =	sld [smem:$0x3FC8];
	(tm) =	ssettm $0x1  }
0x91: {  	s18 =	sld [smem:$0x3FFB];
	_ =	sdelay $0x3  }
0x92: {  	_ =	strace s18  }
0x93: {  	s3 =	sld [smem:$0x3FFC];
	_ =	sdelay $0x3  }
0x94: {  	_ =	strace s3  }
0x95: {  	s3 =	sld [smem:$0x3FFD];
	_ =	sdelay $0x3  }
0x96: {  	_ =	strace s3  }
0x97: {  	_ =	strace $0x8FFFFFFF  }
0x98: {  	s19 =	sld [smem:$0x3FDB];
	_ =	sdelay $0x1  }
0x99: {  	s4 =	simm.s32 $_scs_section_size  }
0x9a: {  	s5 =	simm.s32 $_size__tile_overlayer_lowered;
	s6 =	simm.s32 $_tile_overlayer_lowered  }
0x9b: {  	s22 =	simm.s32 $0x1BFF;
	s21 =	sshll.u32 s6, $0x1;
	s3 =	sadd.s32 s4, s19  }
0x9c: {  	s7 =	simm.s32 $0x0;
	s20 =	sshll.u32 s5, $0x1;
	s5 =	sadd.s32 s21, s3  }
0x9d: {  	[timem:s7], [sflag:s22] =	dma.local [hbm:s5], s20  }
0x9e: {  	_ =	swait.ge [sflag:s22], s20  }
0x9f: {  	s4 =	ssub.s32 $0x0, s20;
	[sflag:s22] =	ssyncset.done $0x0  }
0xa0: {  	[sflag:s22] =	ssyncadd.s32 s4;
	_ =	sdelay $0x1  }
0xa1: {  	s23 =	simm.s32 $0x1B8B  }
0xa2: {  	_ =	swait.ge [sflag:s23], $0x1  }
0xa3: {  	[sflag:s23] =	ssyncset.done $0x0  }
0xa4: {  	s25 =	simm.s32 $0x1B8E;
	s24 =	sld [smem:$0x3FFE];
	[sflag:s23] =	ssyncadd.s32 $0xFFFFFFFF  }
0xa5: {  	s26 =	simm.s32 $execute0_lowered;
	[smem:$0x3FD2] =	sst s25  }
0xa6: {  	s5 =	sshll.u32 s26, $0x1;
	_ =	strace $0x80000046;
	[dreg:$0x1] =	wrdreg $0xFFFFFFFF  }
0xa7: {  	s28 =	simm.s32 $_size_execute0_lowered;
	s3 =	sadd.s32 s3, s5;
	[dreg:$0x0] =	wrdreg $0x0  }
0xa8: {  	s5 =	sshll.u32 s28, $0x1;
	[dreg:$0x2] =	wrdreg s3  }
0xa9: {  	[dreg:$0x3] =	wrdreg s5  }
0xaa: {  	[dreg:$0x4] =	wrdreg $0xC0  }
0xab: {  	_ =	task [dreg:s7], $0x5FFFF  }
0xac: {  	[dreg:$0x1] =	wrdreg $0xFFFFFFFF  }
0xad: {  	[dreg:$0x0] =	wrdreg $0x60  }
0xae: {  	[dreg:$0x2] =	wrdreg s24  }
0xaf: {  	[dreg:$0x3] =	wrdreg s2  }
0xb0: {  	[dreg:$0x4] =	wrdreg $0x37800  }
0xb1: {  	[dreg:$0x5] =	wrdreg $0x49200  }
0xb2: {  	[dreg:$0x6] =	wrdreg $0x4ED80  }
0xb3: {  	[dreg:$0x7] =	wrdreg $0x4F680  }
0xb4: {  	[dreg:$0x8] =	wrdreg $0x9  }
0xb5: {  	_ =	task.clear_ibuf [dreg:s7], $0x9FFFF;
	_ =	strace $0x90000046  }
0xb6: {  	s29 =	simm.s32 $0x9;
	_ =	strace $0x80000048  }
0xb7: {  	_ =	swait.ge [sflag:s29], $0x1  }
0xb8: {  	[sflag:s29] =	ssyncadd.s32 $0xFFFFFFFF  }
0xb9: {  	_ =	strace $0x90000048  }
0xba: {  	_ =	sfence  }
0xbb: {  	s30 =	sld [smem:$0x0];
	_ =	sdelay $0x2  }
0xbc: {  	s31 =	sshll.u32 s1, $0xD;
	s1 =	sshrl.u32 s1, $0x2  }
0xbd: {  	s3 =	sand.u32 $0x4000, s31;
	s1 =	sadd.s32 s1, s30  }
0xbe: {  	s0 =	sor.u32 s3, s0;
	s1 =	sshll.u32 s1, $0x11  }
0xbf: {  	s0 =	sor.u32 s1, s0  }
0xc0: {  	s0 =	sadd.s32 $0x8F2B, s0  }
0xc1: {  	[sflag:s0] =	ssyncadd.remote.s32 $0x1  }
0xc2: {  	_ =	sfence.sel $0xFFFF  }
0xc3: {  	[dreg:$0x0] =	wrdreg $0xFFFFFFFF;
	(pc) =	sbr.abs _section_cstart, $3  }
0xc4: {  	[dreg:$0x1] =	wrdreg $0xFFFFFFFF  }
0xc5: {  	_ =	task.clear_ibuf [dreg:s7], $0x2FFFF;
	_ =	strace $0x9FFFFFFF  }
0xc6: {  	(tm) =	ssettm $0x7FFFFFFF  }
0xc7: {  	_ =	shalt  }
tec
execute0_lowered:
.L_overlay_start_1:
0x0: {  	(tag) =	ssettag $0x1  }
0x1: {  	s0 =	rddreg [dreg:$0x0]  }
0x2: {  	s1 =	rddreg [dreg:$0x1]  }
0x3: {  	s3 =	rddreg [dreg:$0x2]  }
0x4: {  	s16 =	rddreg [dreg:$0x3]  }
0x5: {  	s2 =	rddreg [dreg:$0x4];
	s19 =	stileid.u32  }
0x6: {  	s17 =	rddreg [dreg:$0x5];
	s9 =	smul.u32 $0x500, s19  }
0x7: {  	s4 =	simm.s32 $0x0;
	s5 =	srdreg.scid;
	s10 =	smul.u32 $0xA00, s19  }
0x8: {  	[smem:$0x7FF] =	sst s4;
	s5 =	sand.u32 $0x1, s5;
	s11 =	smul.u32 $0x280, s19  }
0x9: {  	s12 =	sadd.s32 $0x600, s0;
	s13 =	sshll.u32 s19, $0x7;
	s15 =	smul.u32 $0x140, s19  }
0xa: {  	s24 =	sshll.u32 s19, $0x6;
	p1 =	sgt.u32 s19, $0x9;
	p0 =	sne.s32 s19, $0x0  }
0xb: {  	_ =	strace $0x80000047;
	s6 =	ssub.s32 $0x2, s5;
	s7 =	sshll.u32 s5, $0x1  }
0xc: {  	[dreg:$0x7] =	wrdreg s12;
	s26 =	sshrl.u32 s13, $0x2;
	s29 =	sshll.u32 s5, $0x9  }
0xd: {  	s8 =	sshrl.u32 s6, $0x1;
	s0 =	sadd.s32 s7, s0;
	s25 =	sshrl.u32 s15, $0x2  }
0xe: {  	s7 =	sadd.s32 s12, s9;
	s23 =	sshrl.u32 s10, $0x2;
	s28 =	sadd.s32 s25, s16  }
0xf: {  	s12 =	sadd.s32 s24, s3;
	s0 =	sadd.s32 $0x5600, s0;
	[dreg:$0x8] =	wrdreg s28  }
0x10: {  	s9 =	sadd.s32 $0x2800, s3;
	s30 =	sadd.s32 $0x280, s12;
	[dreg:$0x9] =	wrdreg s0  }
0x11: {  	s14 =	ssub.s32 s6, s8;
	s31 =	sadd.s32 $0x500, s12;
	[dreg:$0xa] =	wrdreg s30  }
0x12: {  	s8 =	sadd.s32 s1, s13;
	s1 =	sadd.s32 $0x780, s12;
	[dreg:$0xb] =	wrdreg s31  }
0x13: {  	s10 =	sadd.s32 s23, s3;
	s3 =	sadd.s32 $0xA00, s12;
	[dreg:$0xc] =	wrdreg s1  }
0x14: {  	s11 =	sshrl.u32 s11, $0x2;
	s16 =	sadd.s32 $0xF00, s12;
	[dreg:$0xd] =	wrdreg s3  }
0x15: {  	s15 =	sadd.s32 s26, s17;
	s18 =	sadd.s32 $0x1180, s12;
	[dreg:$0xf] =	wrdreg s16  }
0x16: {  	s5 =	sor.u32 $0x3000, s29;
	s20 =	sadd.s32 $0x1400, s12;
	[dreg:$0x10] =	wrdreg s18  }
0x17: {  	s6 =	sshll.u32 s19, $0xA;
	s21 =	sadd.s32 $0x1680, s12;
	[dreg:$0x11] =	wrdreg s20  }
0x18: {  	v0 =	vlaneseq.u32;
	s11 =	sadd.s32 s11, s9;
	s22 =	sadd.s32 $0x1900, s12;
	[dreg:$0x12] =	wrdreg s21  }
0x19: {  	v8 =	vimm.s32 $0x76543210;
	v6 =	vimm.s32 $0x40000000;
	v3 =	vmul.u32 $0xA, v0;
	s13 =	sshrl.u32 s24, $0x2;
	s23 =	sadd.s32 $0x1B80, s12;
	[dreg:$0x13] =	wrdreg s22  }
0x1a: {  	v16 =	vimm.f32 $0.0e+00;
	vm0 =	vcmask $0x1F00;
	vm1 =	vcmask $0x3F04;
	s24 =	sadd.s32 $0x1E00, s12;
	s25 =	sadd.s32 $0x2080, s12;
	[dreg:$0x14] =	wrdreg s23  }
0x1b: {  	v1 =	vmov s19;
	v13 =	vunpack.c.l.s4.s8 v8;
	v7 =	vor.u32 $0x1, v3;
	s26 =	sadd.s32 $0x2300, s12;
	s19 =	simm.s32 $0x6;
	[dreg:$0x15] =	wrdreg s24  }
0x1c: {  	v8 =	vadd.s32 $0x2, v3;
	v9 =	vadd.s32 $0x3, v3;
	v10 =	vadd.s32 $0x4, v3;
	s17 =	smax.u32 s14, $0x1;
	s14 =	sadd.s32 $0xC80, s12;
	[dreg:$0x16] =	wrdreg s25  }
.Ltmp0:
0x1d: {  	v11 =	vadd.s32 $0x5, v3;
	v12 =	vadd.s32 $0x6, v3;
	v17 =	vunpack.c.0.s8.s32 v13;
	[dreg:$0x17] =	wrdreg s26;
	s28 =	sadd.s32 $0x2580, s12;
	(pc) =	sbr.rel .LBB2_1-.Ltmp0, $4  }
0x1e: {  	v13 =	vadd.s32 $0x7, v3;
	v14 =	vadd.s32 $0x8, v3;
	v5 =	vmov s5;
	s30 =	sor.u32 $0x2800, s29;
	s31 =	sor.u32 $0x2C00, s29;
	s3 =	ssub.s32 $0x0, s29  }
0x1f: {  	v15 =	vadd.s32 $0x9, v3;
	s16 =	simm.s32 $0x2;
	s18 =	simm.s32 $0x4;
	s20 =	simm.s32 $0x5;
	v18 =	vand.u32 $0xF, v17;
	v4 =	vmov s31  }
0x20: {  	s21 =	simm.s32 $0x4DD8;
	s22 =	simm.s32 $0x4EE8;
	[dreg:$0xe] =	wrdreg s14;
	v2 =	vmov s30;
	v18 =	vnsel vm0, $0x9, v18;
	vm0 =	vcmask $0x2320  }
0x21: {  	v17 =	vimm.s32 $0x0;
	s23 =	simm.s32 $0x0;
	[dreg:$0x18] =	wrdreg s28;
	s14 =	simm.s32 $0x3;
	v18 =	vsel vm0, $0x8, v18;
	vm0 =	vcmask $0x704  }
.LBB2_24:
0x22: {  	s23 =	sadd.s32 $0x1, s23  }
0x23: {  	p2 =	sne.s32 s23, s17  }
.Ltmp1:
0x24: {  	_ = 	snop;
	(pc) =	sbr.rel @!p2 .LBB2_25-.Ltmp1, $1  }
0x25: {  	_ =	sdelay $0x3  }
.LBB2_1:
0x26: {  	[tilespmem:s4], [sflag:$0x2] =	stream.linear.gather [hbm4b:s7+s4], $0x2800, $0x38;
	[tilespmem:$0x5208] =	vst v63  }
0x27: {  	s0 =	simm.s32 $0x2800  }
0x28: {  	[tilespmem:s0], [sflag:$0x3] =	stream.linear.gather [hbm4b:s8+s4], $0x400, $0x38;
	[tilespmem:$0x5208] =	vst v63  }
0x29: {  	_ =	swait.ge [sflag:s14], $0x400  }
0x2a: {  	[sflag:s14] =	ssyncset.done $0x0  }
0x2b: {  	[sflag:s14] =	ssyncadd.s32 $0xFFFFFC00  }
0x2c: {  	[tilespmem:$0x3400] =	vst v6  }
0x2d: {  	[tilespmem:$0x3410] =	vst v6  }
0x2e: {  	[tilespmem:$0x3420] =	vst v6  }
0x2f: {  	[tilespmem:$0x3430] =	vst v6  }
0x30: {  	[tilespmem:$0x3440] =	vst v6  }
0x31: {  	[tilespmem:$0x3450] =	vst v6  }
0x32: {  	[tilespmem:$0x3460] =	vst v6  }
0x33: {  	[tilespmem:$0x3470] =	vst v6  }
0x34: {  	[tilespmem:$0x3480] =	vst v6  }
0x35: {  	[tilespmem:$0x3490] =	vst v6  }
0x36: {  	[tilespmem:$0x34A0] =	vst v6  }
0x37: {  	[tilespmem:$0x34B0] =	vst v6  }
0x38: {  	[tilespmem:$0x34C0] =	vst v6  }
0x39: {  	[tilespmem:$0x34D0] =	vst v6  }
0x3a: {  	[tilespmem:$0x34E0] =	vst v6  }
0x3b: {  	[tilespmem:$0x34F0] =	vst v6  }
0x3c: {  	[tilespmem:$0x3500] =	vst v6  }
0x3d: {  	[tilespmem:$0x3510] =	vst v6  }
0x3e: {  	[tilespmem:$0x3520] =	vst v6  }
0x3f: {  	[tilespmem:$0x3530] =	vst v6  }
0x40: {  	[tilespmem:$0x3540] =	vst v6  }
0x41: {  	[tilespmem:$0x3550] =	vst v6  }
0x42: {  	[tilespmem:$0x3560] =	vst v6  }
0x43: {  	[tilespmem:$0x3570] =	vst v6  }
0x44: {  	[tilespmem:$0x3580] =	vst v6  }
0x45: {  	[tilespmem:$0x3590] =	vst v6  }
0x46: {  	[tilespmem:$0x35A0] =	vst v6  }
0x47: {  	[tilespmem:$0x35B0] =	vst v6  }
0x48: {  	[tilespmem:$0x35C0] =	vst v6  }
0x49: {  	[tilespmem:$0x35D0] =	vst v6  }
0x4a: {  	[tilespmem:$0x35E0] =	vst v6  }
0x4b: {  	[tilespmem:$0x35F0] =	vst v6  }
0x4c: {  	[tilespmem:$0x3600] =	vst v6  }
0x4d: {  	[tilespmem:$0x3610] =	vst v6  }
0x4e: {  	[tilespmem:$0x3620] =	vst v6  }
0x4f: {  	[tilespmem:$0x3630] =	vst v6  }
0x50: {  	[tilespmem:$0x3640] =	vst v6  }
0x51: {  	[tilespmem:$0x3650] =	vst v6  }
0x52: {  	[tilespmem:$0x3660] =	vst v6  }
0x53: {  	s25 =	simm.s32 $0x0;
	[tilespmem:$0x3670] =	vst v6  }
.LBB2_2:
0x54: {  	s24 =	sshll.u32 s25, $0x6  }
0x55: {  	s26 =	simm.s32 $0x0;
	s28 =	simm.s32 $0x0;
	v19 =	vmov s24  }
.LBB2_3:
0x56: {  	_ =	sdelay $0x2  }
0x57: {  	s0 =	sshll.u32 s28, $0x4  }
0x58: {  	v20 =	vld.idx.msk [tilespmem:v19+s0+$0x2800 ss:$0x1], $0xffff  }
0x59: {  	s31 =	simm.s32 $0x3420  }
0x5a: {  	v23 =	vld [tilespmem:s31+$0xFFFFFFE0]  }
0x5b: {  	s0 =	sadd.s32 s24, s0;
	v24 =	vld [tilespmem:s31+$0x0]  }
0x5c: {  	v25 =	vld [tilespmem:s31+$0xFFFFFFF0];
	s0 =	sor.u32 s6, s0  }
0x5d: {  	v27 =	vld [tilespmem:s31+$0x10];
	v21 =	vor.u32 s0, v0;
	vm2 =	veq.s32 v20, s26  }
0x5e: {  	v26 =	vnsel vm2, $0x40000000, v21  }
0x5f: {  	v28 =	vsel vm2, $0x40000000, v21;
	vm3 =	vlt.s32 v23, v26  }
0x60: {  	s30 =	simm.s32 $0x3460;
	vm2 =	vlt.s32 v24, v28;
	v29 =	vsel vm3, v23, v26;
	v26 =	vsel vm3, v26, v23  }
0x61: {  	v22 =	vld [tilespmem:s30+$0xFFFFFFF0];
	v63 =	vsel vm2, v24, v28;
	v28 =	vsel vm2, v28, v24;
	[tilespmem:s31+$0xFFFFFFE0] =	vst v29;
	vm2 =	vlt.s32 v25, v26  }
0x62: {  	v23 =	vld [tilespmem:s30+$0xFFFFFFE0];
	[tilespmem:s31+$0x0] =	vst v63;
	v25 =	vsel vm2, v25, v26;
	vm2 =	vlt.s32 v27, v28  }
0x63: {  	s1 =	simm.s32 $0x2;
	s5 =	simm.s32 $0x34A0;
	s0 =	simm.s32 $0x1;
	v24 =	vld [tilespmem:s30+$0x0];
	[tilespmem:s31+$0xFFFFFFF0] =	vst v25;
	v25 =	vsel vm2, v27, v28  }
.LBB2_4:
0x64: {  	v26 =	vld [tilespmem:s5+$0xFFFFFFF0];
	p2 =	sne.s32 s1, $0x9;
	[tilespmem:s31+$0x10] =	vst v25;
	s31 =	smov.u32 s1;
	s1 =	sadd.s32 $0x1, s1  }
0x65: {  	vm2 =	veq.s32 v20, s0;
	v25 =	vld [tilespmem:s30+$0x10];
	s0 =	smov.u32 s31;
	s31 =	smov.u32 s30;
	s30 =	smov.u32 s5  }
0x66: {  	v27 =	vnsel vm2, $0x40000000, v21  }
.Ltmp2:
0x67: {  	v28 =	vsel vm2, $0x40000000, v21;
	vm3 =	vlt.s32 v23, v27;
	(pc) =	sbr.rel @p2 .LBB2_4-.Ltmp2, $4  }
0x68: {  	v29 =	vsel vm3, v27, v23;
	v23 =	vsel vm3, v23, v27;
	vm2 =	vlt.s32 v24, v28  }
0x69: {  	vm3 =	vlt.s32 v22, v29;
	[tilespmem:s31+$0xFFFFFFE0] =	vst v23;
	v27 =	vsel vm2, v28, v24;
	v24 =	vsel vm2, v24, v28  }
0x6a: {  	v23 =	vld [tilespmem:s5+$0xFFFFFFE0];
	v28 =	vsel vm3, v22, v29;
	vm2 =	vlt.s32 v25, v27;
	[tilespmem:s31+$0x0] =	vst v24;
	v22 =	vmov v26  }
0x6b: {  	s5 =	sadd.s32 $0x40, s5;
	v24 =	vld [tilespmem:s30+$0x0];
	[tilespmem:s31+$0xFFFFFFF0] =	vst v28;
	v25 =	vsel vm2, v25, v27  }
0x6c: {  	[tilespmem:s31+$0x10] =	vst v25  }
0x6d: {  	vm2 =	veq.s32 v20, s0;
	v25 =	vld [tilespmem:s30+$0x10]  }
0x6e: {  	s28 =	sadd.s32 $0x1, s28;
	v20 =	vnsel vm2, $0x40000000, v21  }
0x6f: {  	v63 =	vsel vm2, $0x40000000, v21;
	p2 =	sne.s32 s28, $0x4;
	vm3 =	vlt.s32 v23, v20  }
.Ltmp3:
0x70: {  	v26 =	vsel vm3, v20, v23;
	v20 =	vsel vm3, v23, v20;
	vm2 =	vlt.s32 v24, v63;
	(pc) =	sbr.rel @p2 .LBB2_3-.Ltmp3, $4  }
0x71: {  	vm3 =	vlt.s32 v22, v26;
	[tilespmem:s30+$0xFFFFFFE0] =	vst v20;
	v20 =	vsel vm2, v63, v24;
	v21 =	vsel vm2, v24, v63  }
0x72: {  	v22 =	vsel vm3, v22, v26;
	vm2 =	vlt.s32 v25, v20;
	[tilespmem:s30+$0x0] =	vst v21  }
0x73: {  	[tilespmem:s30+$0xFFFFFFF0] =	vst v22;
	v20 =	vsel vm2, v25, v20  }
0x74: {  	[tilespmem:s30+$0x10] =	vst v20  }
0x75: {  	v19 =	vld [tilespmem:$0x3410]  }
0x76: {  	v20 =	vld [tilespmem:$0x3430];
	_ =	sdelay $0x1  }
0x77: {  	v21 =	vld [tilespmem:$0x3450];
	_ =	sdelay $0x1  }
0x78: {  	v22 =	vld [tilespmem:$0x3470];
	v19 =	vxor.u32 $0x80000000, v19  }
0x79: {  	(xrf0) =	vmin.scan.msk.u32 $0xffff, v19;
	v19 =	vxor.u32 $0x80000000, v20  }
0x7a: {  	(xrf0) =	vmin.scan.msk.u32 $0xffff, v19;
	v19 =	vld [tilespmem:$0x3490]  }
0x7b: {  	v20 =	vxor.u32 $0x80000000, v21  }
0x7c: {  	(xrf0) =	vmin.scan.msk.u32 $0xffff, v20;
	v20 =	vld [tilespmem:$0x34B0]  }
0x7d: {  	v42 =	vxor.u32 $0x80000000, v22  }
0x7e: {  	v43 =	vld [tilespmem:$0x34D0];
	(xrf0) =	vmin.scan.msk.u32 $0xffff, v42  }
0x7f: {  	v44, _, _ =	vpop (xrf0);
	v19 =	vxor.u32 $0x80000000, v19  }
0x80: {  	(v2sf) =	vpush v44, $0xF;
	v45, _, _ =	vpop (xrf0);
	(xrf0) =	vmin.scan.msk.u32 $0xffff, v19;
	v19 =	vld [tilespmem:$0x34F0]  }
0x81: {  	v20 =	vxor.u32 $0x80000000, v20;
	(v2sf) =	vpush v45, $0xF  }
0x82: {  	v46, _, _ =	vpop (xrf0);
	(xrf0) =	vmin.scan.msk.u32 $0xffff, v20;
	v20 =	vld [tilespmem:$0x3510]  }
0x83: {  	v21 =	vxor.u32 $0x80000000, v43;
	(v2sf) =	vpush v46, $0xF  }
0x84: {  	v48 =	vld [tilespmem:$0x3530];
	v47, _, _ =	vpop (xrf0);
	(xrf0) =	vmin.scan.msk.u32 $0xffff, v21  }
0x85: {  	(v2sf) =	vpush v47, $0xF;
	v19 =	vxor.u32 $0x80000000, v19  }
0x86: {  	v49, _, _ =	vpop (xrf0);
	(xrf0) =	vmin.scan.msk.u32 $0xffff, v19;
	v19 =	vld [tilespmem:$0x3550]  }
0x87: {  	v20 =	vxor.u32 $0x80000000, v20;
	(v2sf) =	vpush v49, $0xF  }
0x88: {  	v50, _, _ =	vpop (xrf0);
	(xrf0) =	vmin.scan.msk.u32 $0xffff, v20;
	v20 =	vld [tilespmem:$0x3570]  }
0x89: {  	v21 =	vxor.u32 $0x80000000, v48;
	(v2sf) =	vpush v50, $0xF  }
0x8a: {  	v52 =	vld [tilespmem:$0x3590];
	v51, _, _ =	vpop (xrf0);
	(xrf0) =	vmin.scan.msk.u32 $0xffff, v21  }
0x8b: {  	(v2sf) =	vpush v51, $0xF;
	v19 =	vxor.u32 $0x80000000, v19  }
0x8c: {  	v53, _, _ =	vpop (xrf0);
	(xrf0) =	vmin.scan.msk.u32 $0xffff, v19;
	v19 =	vld [tilespmem:$0x35B0]  }
0x8d: {  	v20 =	vxor.u32 $0x80000000, v20;
	(v2sf) =	vpush v53, $0xF  }
0x8e: {  	v54, _, _ =	vpop (xrf0);
	(xrf0) =	vmin.scan.msk.u32 $0xffff, v20;
	v20 =	vld [tilespmem:$0x35D0]  }
0x8f: {  	v21 =	vxor.u32 $0x80000000, v52;
	s0 =	spop (v2sf);
	(v2sf) =	vpush v54, $0xF  }
0x90: {  	v56 =	vld [tilespmem:$0x35F0];
	v55, _, _ =	vpop (xrf0);
	(xrf0) =	vmin.scan.msk.u32 $0xffff, v21;
	s1 =	spop (v2sf)  }
0x91: {  	s0 =	sxor.u32 $0x80000000, s0;
	(v2sf) =	vpush v55, $0xF;
	s1 =	sxor.u32 $0x80000000, s1;
	v19 =	vxor.u32 $0x80000000, v19  }
0x92: {  	s5 =	spop (v2sf);
	p2 =	sgt.s32 s0, s1;
	v57, _, _ =	vpop (xrf0);
	(xrf0) =	vmin.scan.msk.u32 $0xffff, v19;
	v19 =	vld [tilespmem:$0x3610]  }
0x93: {  	v20 =	vxor.u32 $0x80000000, v20;
	s1 =	smov.u32 @p2 s0;
	s0 =	sxor.u32 $0x80000000, s5;
	(v2sf) =	vpush v57, $0xF  }
0x94: {  	s30 =	spop (v2sf);
	v58, _, _ =	vpop (xrf0);
	(xrf0) =	vmin.scan.msk.u32 $0xffff, v20;
	v20 =	vld [tilespmem:$0x3630];
	p2 =	sgt.s32 s1, s0  }
0x95: {  	v21 =	vxor.u32 $0x80000000, v56;
	(v2sf) =	vpush v58, $0xF;
	s0 =	smov.u32 @p2 s1;
	s1 =	sxor.u32 $0x80000000, s30  }
0x96: {  	v60 =	vld [tilespmem:$0x3650];
	v59, _, _ =	vpop (xrf0);
	(xrf0) =	vmin.scan.msk.u32 $0xffff, v21;
	p2 =	sgt.s32 s0, s1;
	s31 =	spop (v2sf)  }
0x97: {  	(v2sf) =	vpush v59, $0xF;
	s1 =	smov.u32 @p2 s0;
	s0 =	sxor.u32 $0x80000000, s31;
	v19 =	vxor.u32 $0x80000000, v19  }
0x98: {  	s24 =	spop (v2sf);
	p2 =	sgt.s32 s1, s0;
	v61, _, _ =	vpop (xrf0);
	(xrf0) =	vmin.scan.msk.u32 $0xffff, v19;
	v19 =	vld [tilespmem:$0x3670]  }
0x99: {  	v20 =	vxor.u32 $0x80000000, v20;
	s0 =	smov.u32 @p2 s1;
	s1 =	sxor.u32 $0x80000000, s24;
	(v2sf) =	vpush v61, $0xF  }
0x9a: {  	s26 =	spop (v2sf);
	v62, _, _ =	vpop (xrf0);
	(xrf0) =	vmin.scan.msk.u32 $0xffff, v20;
	p2 =	sgt.s32 s0, s1  }
0x9b: {  	v20 =	vxor.u32 $0x80000000, v60;
	(v2sf) =	vpush v62, $0xF;
	s1 =	smov.u32 @p2 s0;
	s0 =	sxor.u32 $0x80000000, s26  }
0x9c: {  	v63, _, _ =	vpop (xrf0);
	(xrf0) =	vmin.scan.msk.u32 $0xffff, v20;
	p2 =	sgt.s32 s1, s0;
	s28 =	spop (v2sf)  }
0x9d: {  	(v2sf) =	vpush v63, $0xF;
	s0 =	smov.u32 @p2 s1;
	s1 =	sxor.u32 $0x80000000, s28;
	v19 =	vxor.u32 $0x80000000, v19  }
0x9e: {  	v20, _, _ =	vpop (xrf0);
	(xrf0) =	vmin.scan.msk.u32 $0xffff, v19;
	p2 =	sgt.s32 s0, s1;
	s30 =	spop (v2sf)  }
0x9f: {  	s1 =	smov.u32 @p2 s0;
	s0 =	sxor.u32 $0x80000000, s30;
	(v2sf) =	vpush v20, $0xF  }
0xa0: {  	s31 =	spop (v2sf);
	v19, _, _ =	vpop (xrf0);
	p2 =	sgt.s32 s1, s0  }
0xa1: {  	s0 =	smov.u32 @p2 s1;
	s1 =	sxor.u32 $0x80000000, s31;
	(v2sf) =	vpush v19, $0xF  }
0xa2: {  	v19, _, _ =	vpop (xrf0);
	p2 =	sgt.s32 s0, s1;
	s24 =	spop (v2sf)  }
0xa3: {  	(v2sf) =	vpush v19, $0xF;
	s1 =	smov.u32 @p2 s0;
	s0 =	sxor.u32 $0x80000000, s24  }
0xa4: {  	s26 =	spop (v2sf);
	p2 =	sgt.s32 s1, s0;
	v19, _, _ =	vpop (xrf0)  }
0xa5: {  	s0 =	smov.u32 @p2 s1;
	s1 =	sxor.u32 $0x80000000, s26;
	(v2sf) =	vpush v19, $0xF  }
0xa6: {  	s28 =	spop (v2sf);
	p2 =	sgt.s32 s0, s1  }
0xa7: {  	s1 =	smov.u32 @p2 s0;
	s0 =	sxor.u32 $0x80000000, s28  }
0xa8: {  	s30 =	spop (v2sf);
	p2 =	sgt.s32 s1, s0  }
0xa9: {  	s0 =	smov.u32 @p2 s1;
	s1 =	sxor.u32 $0x80000000, s30  }
0xaa: {  	s31 =	spop (v2sf);
	p2 =	sgt.s32 s0, s1  }
0xab: {  	s1 =	smov.u32 @p2 s0;
	s0 =	sxor.u32 $0x80000000, s31  }
0xac: {  	s24 =	spop (v2sf);
	p2 =	sgt.s32 s1, s0  }
0xad: {  	s0 =	smov.u32 @p2 s1;
	s1 =	sxor.u32 $0x80000000, s24  }
0xae: {  	s26 =	spop (v2sf);
	p2 =	sgt.s32 s0, s1  }
0xaf: {  	s1 =	smov.u32 @p2 s0;
	s0 =	sxor.u32 $0x80000000, s26  }
0xb0: {  	s28 =	spop (v2sf);
	p2 =	sgt.s32 s1, s0  }
0xb1: {  	s0 =	smov.u32 @p2 s1;
	s1 =	sxor.u32 $0x80000000, s28  }
0xb2: {  	s30 =	spop (v2sf);
	p2 =	sgt.s32 s0, s1  }
0xb3: {  	s1 =	smov.u32 @p2 s0;
	s0 =	sxor.u32 $0x80000000, s30  }
0xb4: {  	p2 =	sgt.s32 s1, s0;
	s31 =	spop (v2sf)  }
0xb5: {  	s0 =	smov.u32 @p2 s1;
	s1 =	sxor.u32 $0x80000000, s31  }
0xb6: {  	p2 =	sgt.s32 s0, s1  }
0xb7: {  	s1 =	smov.u32 @p2 s0;
	p2 =	sgt.u32 s25, $0xE  }
0xb8: {  	p3 =	sgt.s32 @!p2 s1, $0x3FFFFFFF  }
0xb9: {  	p2 =	por p2, !p3  }
.Ltmp4:
0xba: {  	_ = 	snop;
	(pc) =	sbr.rel @!p2 .LBB2_2-.Ltmp4, $2  }
0xbb: {  	_ =	sdelay $0x2  }
0xbc: {  	s25 =	sadd.s32 $0x1, s25  }
0xbd: {  	v19 =	vmov s29  }
0xbe: {  	v19 =	vmul.u32 $0xA, v19;
	_ =	sdelay $0x1  }
0xbf: {  	v20 =	vbroadcast v19, $0x0  }
0xc0: {  	s0 =	simm.s32 $0x3400  }
0xc1: {  	[spmem:s10] =	stream.linear.scatter [tilespmem:s0], [sflag:$0x4], $0x280, $0x38;
	v21 =	vadd.s32 v13, v20;
	[tilespmem:$0x5208] =	vst v63  }
0xc2: {  	_ =	swait.ge [sflag:s16], $0x2800;
	v22 =	vadd.s32 v12, v20  }
0xc3: {  	[sflag:s16] =	ssyncset.done $0x0;
	v23 =	vadd.s32 v11, v20  }
0xc4: {  	s25 =	simm.s32 $0x0;
	[sflag:s16] =	ssyncadd.s32 $0xFFFFD800;
	v24 =	vadd.s32 v10, v20  }
0xc5: {  	s26 =	simm.s32 $0x0;
	v33 =	vld.idx.msk [tilespmem:v2+s25+$0x0 ss:$0x1], $0xffff;
	v26 =	vadd.s32 v9, v20  }
0xc6: {  	v25 =	vimm.s32 $0x0;
	v27 =	vimm.s32 $0x0;
	v35 =	vadd.s32 v8, v20;
	v29 =	vld.idx.msk [tilespmem:v21+s26+$0x0], $0xffff  }
0xc7: {  	v28 =	vimm.s32 $0x0;
	v19 =	vimm.s32 $0x0;
	v36 =	vadd.s32 v7, v20;
	v30 =	vld.idx.msk [tilespmem:v22+s26+$0x0], $0xffff  }
0xc8: {  	v37 =	vadd.s32 v3, v20;
	v39 =	vadd.s32 v15, v20;
	v38 =	vadd.s32 v14, v20;
	v31 =	vld.idx.msk [tilespmem:v23+s26+$0x0], $0xffff  }
0xc9: {  	v20 =	vimm.s32 $0x0;
	v21 =	vimm.s32 $0x0;
	v22 =	vimm.s32 $0x0;
	v32 =	vld.idx.msk [tilespmem:v24+s26+$0x0], $0xffff  }
0xca: {  	s28 =	simm.s32 $0x40;
	s24 =	smov.u32 s29;
	v23 =	vimm.s32 $0x0;
	v24 =	vimm.s32 $0x0;
	v34 =	vld.idx.msk [tilespmem:v26+s26+$0x0], $0xffff;
	v26 =	vimm.s32 $0x0  }
.LBB2_8:
0xcb: {  	p2 =	sne.s32 s28, $0x7C0;
	v35 =	vld.idx.msk [tilespmem:v35+s26+$0x0], $0xffff  }
0xcc: {  	v36 =	vld.idx.msk [tilespmem:v36+s26+$0x0], $0xffff  }
0xcd: {  	v37 =	vld.idx.msk [tilespmem:v37+s26+$0x0], $0xffff  }
0xce: {  	v39 =	vld.idx.msk [tilespmem:v39+s26+$0x0], $0xffff  }
0xcf: {  	vm2 =	veq.s32 v33, $0x8;
	vm3 =	veq.s32 v33, $0x9;
	v38 =	vld.idx.msk [tilespmem:v38+s26+$0x0], $0xffff  }
0xd0: {  	vm9 =	veq.s32 v33, $0x0;
	vm10 =	veq.s32 v33, $0x1;
	vm8 =	veq.s32 v33, $0x2  }
0xd1: {  	vm5 =	veq.s32 v33, $0x4;
	vm6 =	veq.s32 v33, $0x5;
	vm4 =	veq.s32 v33, $0x7  }
0xd2: {  	vm7 =	veq.s32 v33, $0x6;
	v40 =	vmax.f32 v30, v29;
	v41 =	vnsel vm4, $0x0, v29  }
0xd3: {  	v44 =	vmax.f32 v32, v31;
	v43 =	vmax.f32 v35, v34;
	v42 =	vmax.f32 v37, v36  }
0xd4: {  	v40 =	vmax.f32 v44, v40;
	v42 =	vmax.f32 v42, v43;
	v43 =	vnsel vm7, $0x0, v30  }
0xd5: {  	v44 =	vmax.f32 v38, v39;
	v40 =	vmax.f32 v42, v40;
	v41 =	vadd.f32 v41, v43  }
0xd6: {  	v42 =	vnsel vm5, $0x0, v32;
	v43 =	vnsel vm6, $0x0, v31;
	v40 =	vmax.f32 v40, v44  }
0xd7: {  	vm11 =	veq.s32 v33, $0x3;
	v33 =	vadd.f32 v43, v42;
	v44 =	vsub.f32 v37, v40  }
0xd8: {  	v45 =	vnsel vm11, $0x0, v34;
	v43 =	vnsel vm8, $0x0, v35;
	v42 =	vsub.f32 v36, v40  }
0xd9: {  	v35 =	vsub.f32 v35, v40;
	v43 =	vadd.f32 v45, v43;
	v44 =	vmul.f32 $1.442695020e+00, v44  }
0xda: {  	v34 =	vsub.f32 v34, v40;
	v36 =	vnsel vm10, $0x0, v36;
	v42 =	vmul.f32 $1.442695020e+00, v42  }
0xdb: {  	v32 =	vsub.f32 v32, v40;
	v35 =	vmul.f32 $1.442695020e+00, v35;
	(erf) = vpow2.f32 v44  }
0xdc: {  	v31 =	vsub.f32 v31, v40;
	v34 =	vmul.f32 $1.442695020e+00, v34;
	(erf) = vpow2.f32 v42  }
0xdd: {  	v30 =	vsub.f32 v30, v40;
	v32 =	vmul.f32 $1.442695020e+00, v32;
	(erf) = vpow2.f32 v35  }
0xde: {  	v29 =	vsub.f32 v29, v40;
	v31 =	vmul.f32 $1.442695020e+00, v31;
	(erf) = vpow2.f32 v34  }
0xdf: {  	v30 =	vmul.f32 $1.442695020e+00, v30;
	v34 =	vnsel vm9, $0x0, v37;
	(erf) = vpow2.f32 v32  }
0xe0: {  	v29 =	vmul.f32 $1.442695020e+00, v29;
	v32 =	vadd.f32 v36, v34;
	(erf) = vpow2.f32 v31  }
0xe1: {  	v35 =	vadd.f32 v41, v33;
	v31 =	vsub.f32 v38, v40;
	(erf) = vpow2.f32 v30  }
0xe2: {  	v30 =	vsub.f32 v39, v40;
	v32 =	vadd.f32 v43, v32;
	(erf) = vpow2.f32 v29  }
0xe3: {  	v34 =	vnsel vm3, $0x0, v39;
	v29 =	vmul.f32 $1.442695020e+00, v31;
	v31 =	vnsel vm2, $0x0, v38  }
0xe4: {  	v30 =	vmul.f32 $1.442695020e+00, v30;
	v31 =	vadd.f32 v34, v31;
	v37 =	vadd.f32 v35, v32;
	v33 =	vpop (erf)  }
0xe5: {  	v34 =	vsel vm9, $0x1, v17;
	v35 =	vsel vm10, $0x1, v17;
	v36 =	vpop (erf);
	(erf) = vpow2.f32 v29  }
0xe6: {  	v43 =	vadd.f32 v31, v37;
	v31 =	vsel vm8, $0x1, v17;
	v32 =	vpop (erf);
	(erf) = vpow2.f32 v30  }
0xe7: {  	v38 =	vsel vm6, $0x1, v17;
	v37 =	vsel vm5, $0x1, v17;
	v30 =	vsel vm11, $0x1, v17;
	v39 =	vpop (erf)  }
0xe8: {  	v42 =	vsel vm4, $0x1, v17;
	v41 =	vsel vm7, $0x1, v17;
	v40 =	vsub.f32 v43, v40;
	[tilespmem:v4+s25+$0x0 ss:$0x1] =	vst.idx.msk $0xffff, v43;
	v29 =	vpop (erf)  }
0xe9: {  	v19 =	vadd.s32 v34, v19;
	v34 =	vsel vm2, $0x1, v17;
	v43 =	vsel vm3, $0x1, v17;
	v44 =	vpop (erf)  }
0xea: {  	v20 =	vadd.s32 v35, v20;
	v21 =	vadd.s32 v31, v21;
	v31 =	vmul.f32 $1.442695020e+00, v40;
	v35 =	vpop (erf)  }
0xeb: {  	v33 =	vadd.f32 v36, v33;
	v22 =	vadd.s32 v30, v22;
	v32 =	vadd.f32 v39, v32;
	v30 =	vpop (erf)  }
0xec: {  	v29 =	vadd.f32 v44, v29;
	v35 =	vadd.f32 v30, v35;
	(erf) = vpow2.f32 v31  }
0xed: {  	v25 =	vadd.s32 v41, v25;
	v24 =	vadd.s32 v38, v24;
	v23 =	vadd.s32 v37, v23  }
0xee: {  	v26 =	vadd.s32 v42, v26;
	v31 =	vadd.f32 v32, v33;
	v29 =	vadd.f32 v35, v29;
	v30 =	vpop (erf)  }
0xef: {  	s24 =	sadd.s32 $0x10, s24;
	v27 =	vadd.s32 v34, v27;
	v28 =	vadd.s32 v43, v28;
	v32 =	vpop (erf)  }
0xf0: {  	v33 =	vmov s24;
	v30 =	vadd.f32 v32, v30;
	v29 =	vadd.f32 v29, v31  }
0xf1: {  	v31 =	vmul.u32 $0xA, v33  }
0xf2: {  	v29 =	vadd.f32 v29, v30  }
0xf3: {  	v38 =	vbroadcast v31, $0x0  }
0xf4: {  	v29 =	vmul.f32 $8.999999760e-01, v29  }
0xf5: {  	v30 =	vadd.s32 v13, v38;
	v31 =	vpop (erf)  }
0xf6: {  	v32 =	vadd.s32 v12, v38;
	vm2 =	vgt.f32 v31, v29  }
0xf7: {  	v31 =	vadd.s32 v11, v38;
	v29 =	vsel vm2, $0x3F800000, v16  }
0xf8: {  	v34 =	vadd.s32 v10, v38;
	[tilespmem:v5+s25+$0x0 ss:$0x1] =	vst.idx.msk $0xffff, v29;
	s25 =	sshra.s32 s28, $0x2  }
0xf9: {  	v40 =	vadd.s32 v9, v38;
	v33 =	vld.idx.msk [tilespmem:v2+s25+$0x0 ss:$0x1], $0xffff  }
.Ltmp5:
0xfa: {  	v35 =	vadd.s32 v8, v38;
	v29 =	vld.idx.msk [tilespmem:v30+s26+$0x0], $0xffff;
	(pc) =	sbr.rel @p2 .LBB2_8-.Ltmp5, $4  }
0xfb: {  	v36 =	vadd.s32 v7, v38;
	v30 =	vld.idx.msk [tilespmem:v32+s26+$0x0], $0xffff  }
0xfc: {  	v37 =	vadd.s32 v3, v38;
	v31 =	vld.idx.msk [tilespmem:v31+s26+$0x0], $0xffff  }
0xfd: {  	v39 =	vadd.s32 v15, v38;
	v32 =	vld.idx.msk [tilespmem:v34+s26+$0x0], $0xffff  }
0xfe: {  	v38 =	vadd.s32 v14, v38;
	s28 =	sadd.s32 $0x40, s28;
	v34 =	vld.idx.msk [tilespmem:v40+s26+$0x0], $0xffff  }
0xff: {  	_ =	sdelay $0x3  }
0x100: {  	v35 =	vld.idx.msk [tilespmem:v35+s26+$0x0], $0xffff  }
0x101: {  	v36 =	vld.idx.msk [tilespmem:v36+s26+$0x0], $0xffff  }
0x102: {  	v37 =	vld.idx.msk [tilespmem:v37+s26+$0x0], $0xffff;
	vm2 =	veq.s32 v33, $0x8  }
0x103: {  	v39 =	vld.idx.msk [tilespmem:v39+s26+$0x0], $0xffff;
	vm3 =	veq.s32 v33, $0x9;
	vm9 =	veq.s32 v33, $0x0;
	vm10 =	veq.s32 v33, $0x1  }
0x104: {  	v38 =	vld.idx.msk [tilespmem:v38+s26+$0x0], $0xffff;
	vm8 =	veq.s32 v33, $0x2;
	vm6 =	veq.s32 v33, $0x4;
	vm5 =	veq.s32 v33, $0x5  }
0x105: {  	vm4 =	veq.s32 v33, $0x7;
	vm7 =	veq.s32 v33, $0x6;
	vm11 =	veq.s32 v33, $0x3  }
0x106: {  	v40 =	vmax.f32 v30, v29;
	v41 =	vnsel vm4, $0x0, v29;
	v55 =	vnsel vm7, $0x0, v30  }
0x107: {  	v44 =	vmax.f32 v32, v31;
	v42 =	vmax.f32 v37, v36;
	v43 =	vmax.f32 v35, v34  }
0x108: {  	v58 =	vnsel vm5, $0x0, v31;
	v40 =	vmax.f32 v44, v40;
	v42 =	vmax.f32 v42, v43  }
0x109: {  	v57 =	vnsel vm6, $0x0, v32;
	v56 =	vmax.f32 v38, v39;
	v40 =	vmax.f32 v42, v40  }
0x10a: {  	v41 =	vadd.f32 v41, v55;
	v59 =	vadd.f32 v58, v57;
	v40 =	vmax.f32 v40, v56  }
0x10b: {  	v45 =	vnsel vm11, $0x0, v34;
	v61 =	vnsel vm8, $0x0, v35;
	v44 =	vsub.f32 v37, v40  }
0x10c: {  	v47 =	vnsel vm3, $0x0, v39;
	v43 =	vadd.f32 v45, v61;
	v60 =	vsub.f32 v36, v40  }
0x10d: {  	v45 =	vnsel vm9, $0x0, v37;
	v35 =	vsub.f32 v35, v40;
	v44 =	vmul.f32 $1.442695020e+00, v44  }
0x10e: {  	v33 =	vadd.f32 v41, v59;
	v62 =	vsub.f32 v34, v40;
	v42 =	vmul.f32 $1.442695020e+00, v60  }
0x10f: {  	v63 =	vsub.f32 v32, v40;
	v35 =	vmul.f32 $1.442695020e+00, v35;
	(erf) = vpow2.f32 v44  }
0x110: {  	v31 =	vsub.f32 v31, v40;
	v34 =	vmul.f32 $1.442695020e+00, v62;
	(erf) = vpow2.f32 v42  }
0x111: {  	v30 =	vsub.f32 v30, v40;
	v32 =	vmul.f32 $1.442695020e+00, v63;
	(erf) = vpow2.f32 v35  }
0x112: {  	v29 =	vsub.f32 v29, v40;
	v31 =	vmul.f32 $1.442695020e+00, v31;
	(erf) = vpow2.f32 v34  }
0x113: {  	v36 =	vnsel vm10, $0x0, v36;
	v30 =	vmul.f32 $1.442695020e+00, v30;
	(erf) = vpow2.f32 v32  }
0x114: {  	v29 =	vmul.f32 $1.442695020e+00, v29;
	(erf) = vpow2.f32 v31;
	v31 =	vsub.f32 v38, v40  }
0x115: {  	v46 =	vadd.f32 v36, v45;
	(erf) = vpow2.f32 v30;
	v30 =	vsub.f32 v39, v40  }
0x116: {  	(erf) = vpow2.f32 v29;
	v29 =	vmul.f32 $1.442695020e+00, v31;
	v31 =	vnsel vm2, $0x0, v38  }
0x117: {  	v32 =	vadd.f32 v43, v46;
	v31 =	vadd.f32 v47, v31  }
0x118: {  	v30 =	vmul.f32 $1.442695020e+00, v30  }
0x119: {  	v32 =	vadd.f32 v33, v32;
	v48 =	vpop (erf)  }
0x11a: {  	(erf) = vpow2.f32 v29;
	v49 =	vpop (erf)  }
0x11b: {  	v29 =	vadd.f32 v31, v32;
	(erf) = vpow2.f32 v30;
	v31 =	vpop (erf)  }
0x11c: {  	v30 =	vpop (erf)  }
0x11d: {  	v32 =	vsub.f32 v29, v40;
	v50 =	vpop (erf)  }
0x11e: {  	v51 =	vpop (erf)  }
0x11f: {  	v32 =	vmul.f32 $1.442695020e+00, v32;
	v52 =	vpop (erf)  }
0x120: {  	v33 =	vadd.f32 v49, v48;
	v30 =	vadd.f32 v30, v31;
	v31 =	vpop (erf)  }
0x121: {  	v53 =	vadd.f32 v51, v50;
	(erf) = vpow2.f32 v32;
	v31 =	vadd.f32 v31, v52;
	_ =	sdelay $0x1  }
0x122: {  	v30 =	vadd.f32 v30, v33;
	v54 =	vpop (erf);
	v31 =	vadd.f32 v31, v53  }
0x123: {  	v55 =	vpop (erf)  }
0x124: {  	v32 =	vadd.f32 v55, v54;
	v30 =	vadd.f32 v31, v30;
	_ =	sdelay $0x1  }
0x125: {  	v30 =	vadd.f32 v30, v32;
	_ =	sdelay $0x1  }
0x126: {  	v30 =	vmul.f32 $8.999999760e-01, v30  }
0x127: {  	v31 =	vpop (erf)  }
0x128: {  	vm12 =	vgt.f32 v31, v30  }
0x129: {  	s0 =	sadd.s32 $0x0, s3;
	v57 =	vsel vm11, $0x1, v17;
	v58 =	vsel vm6, $0x1, v17;
	[tilespmem:v4+s25+$0x0 ss:$0x1] =	vst.idx.msk $0xffff, v29;
	v29 =	vsel vm12, $0x3F800000, v16  }
0x12a: {  	s0 =	sand.u32 $0xFFFFFFF0, s0;
	v22 =	vadd.s32 v57, v22;
	v23 =	vadd.s32 v58, v23;
	v59 =	vsel vm5, $0x1, v17;
	[tilespmem:v5+s25+$0x0 ss:$0x1] =	vst.idx.msk $0xffff, v29  }
0x12b: {  	v61 =	vsel vm4, $0x1, v17;
	v24 =	vadd.s32 v59, v24;
	v56 =	vsel vm8, $0x1, v17;
	v62 =	vld [tilespmem:s0+$0x2A00]  }
0x12c: {  	v26 =	vadd.s32 v61, v26;
	v21 =	vadd.s32 v56, v21;
	v60 =	vsel vm7, $0x1, v17  }
0x12d: {  	v63 =	vsel vm3, $0x1, v17;
	v25 =	vadd.s32 v60, v25;
	v30 =	vsel vm9, $0x1, v17  }
0x12e: {  	v31 =	vsel vm10, $0x1, v17;
	v29 =	vadd.s32 v30, v19;
	v19 =	vsel vm2, $0x1, v17  }
0x12f: {  	v30 =	vadd.s32 v31, v20;
	v20 =	vadd.s32 v19, v27;
	v19 =	vadd.s32 v63, v28  }
0x130: {  	vm2 =	veq.s32 v62, $0x0;
	vm3 =	veq.s32 v62, $0x1;
	vm6 =	veq.s32 v62, $0x9  }
0x131: {  	vm5 =	veq.s32 v62, $0x2;
	vm4 =	veq.s32 v62, $0x3;
	vm7 =	veq.s32 v62, $0x5  }
0x132: {  	vm8 =	veq.s32 v62, $0x6;
	vm9 =	veq.s32 v62, $0x7;
	v27 =	vsel vm6, $0x1, v17  }
0x133: {  	s24 =	simm.s32 $0x20;
	s0 =	sadd.s32 $0x10, s3;
	vm10 =	veq.s32 v62, $0x8;
	vm6 =	veq.s32 v62, $0x4;
	v19 =	vadd.s32 v27, v19  }
.LBB2_10:
0x134: {  	p2 =	sne.s32 s24, $0x1F0;
	s0 =	sand.u32 $0xFFFFFFF0, s0;
	v27 =	vsel vm2, $0x1, v17;
	v28 =	vsel vm3, $0x1, v17;
	v31 =	vsel vm5, $0x1, v17  }
0x135: {  	v33 =	vsel vm4, $0x1, v17;
	v34 =	vsel vm6, $0x1, v17;
	v35 =	vsel vm7, $0x1, v17;
	v32 =	vld [tilespmem:s0+$0x2A00]  }
0x136: {  	v36 =	vsel vm8, $0x1, v17;
	v37 =	vsel vm9, $0x1, v17;
	v38 =	vsel vm10, $0x1, v17  }
0x137: {  	v29 =	vadd.s32 v27, v29;
	v30 =	vadd.s32 v28, v30;
	v21 =	vadd.s32 v31, v21  }
0x138: {  	v22 =	vadd.s32 v33, v22;
	v23 =	vadd.s32 v34, v23;
	v24 =	vadd.s32 v35, v24  }
.Ltmp6:
0x139: {  	v25 =	vadd.s32 v36, v25;
	v26 =	vadd.s32 v37, v26;
	v20 =	vadd.s32 v38, v20;
	(pc) =	sbr.rel @p2 .LBB2_10-.Ltmp6, $4  }
0x13a: {  	vm2 =	veq.s32 v32, $0x0;
	vm3 =	veq.s32 v32, $0x1;
	vm6 =	veq.s32 v32, $0x9  }
0x13b: {  	vm5 =	veq.s32 v32, $0x2;
	vm4 =	veq.s32 v32, $0x3;
	v27 =	vsel vm6, $0x1, v17  }
0x13c: {  	vm7 =	veq.s32 v32, $0x5;
	vm6 =	veq.s32 v32, $0x4;
	v19 =	vadd.s32 v27, v19  }
0x13d: {  	s0 =	sadd.s32 s24, s3;
	s24 =	sadd.s32 $0x10, s24;
	vm8 =	veq.s32 v32, $0x6;
	vm9 =	veq.s32 v32, $0x7;
	vm10 =	veq.s32 v32, $0x8  }
0x13e: {  	s0 =	sand.u32 $0xFFFFFFF0, s0  }
0x13f: {  	v27 =	vsel vm2, $0x1, v17;
	v28 =	vsel vm3, $0x1, v17;
	v31 =	vsel vm5, $0x1, v17;
	v32 =	vld [tilespmem:s0+$0x2A00]  }
0x140: {  	v33 =	vsel vm4, $0x1, v17;
	v34 =	vsel vm6, $0x1, v17;
	v35 =	vsel vm7, $0x1, v17  }
0x141: {  	v36 =	vsel vm8, $0x1, v17;
	v37 =	vsel vm9, $0x1, v17;
	v38 =	vsel vm10, $0x1, v17  }
0x142: {  	v27 =	vadd.s32 v27, v29;
	v28 =	vadd.s32 v28, v30;
	v21 =	vadd.s32 v31, v21  }
0x143: {  	v22 =	vadd.s32 v33, v22;
	v23 =	vadd.s32 v34, v23;
	v24 =	vadd.s32 v35, v24  }
0x144: {  	v25 =	vadd.s32 v36, v25;
	v26 =	vadd.s32 v37, v26;
	vm2 =	veq.s32 v32, $0x0  }
0x145: {  	v20 =	vadd.s32 v38, v20;
	vm3 =	veq.s32 v32, $0x1;
	v54 =	vsel vm2, $0x1, v17  }
0x146: {  	vm2 =	veq.s32 v32, $0x2;
	v55 =	vsel vm3, $0x1, v17;
	v27 =	vadd.s32 v54, v27  }
0x147: {  	vm3 =	veq.s32 v32, $0x3;
	v56 =	vsel vm2, $0x1, v17;
	v28 =	vadd.s32 v55, v28;
	[tilespmem:$0x3680] =	vst v27  }
0x148: {  	vm2 =	veq.s32 v32, $0x4;
	v57 =	vsel vm3, $0x1, v17;
	v21 =	vadd.s32 v56, v21;
	[tilespmem:$0x3690] =	vst v28  }
0x149: {  	vm3 =	veq.s32 v32, $0x5;
	v58 =	vsel vm2, $0x1, v17;
	v22 =	vadd.s32 v57, v22;
	[tilespmem:$0x36A0] =	vst v21  }
0x14a: {  	vm2 =	veq.s32 v32, $0x6;
	v59 =	vsel vm3, $0x1, v17;
	v23 =	vadd.s32 v58, v23;
	[tilespmem:$0x36B0] =	vst v22  }
0x14b: {  	vm3 =	veq.s32 v32, $0x7;
	v60 =	vsel vm2, $0x1, v17;
	v21 =	vadd.s32 v59, v24;
	[tilespmem:$0x36C0] =	vst v23  }
0x14c: {  	vm2 =	veq.s32 v32, $0x8;
	v61 =	vsel vm3, $0x1, v17;
	v22 =	vadd.s32 v60, v25;
	[tilespmem:$0x36D0] =	vst v21  }
0x14d: {  	vm3 =	veq.s32 v32, $0x9;
	v62 =	vsel vm2, $0x1, v17;
	v23 =	vadd.s32 v61, v26;
	[tilespmem:$0x36E0] =	vst v22  }
0x14e: {  	v63 =	vsel vm3, $0x1, v17;
	v20 =	vadd.s32 v62, v20;
	[tilespmem:$0x36F0] =	vst v23  }
0x14f: {  	v19 =	vadd.s32 v63, v19;
	[tilespmem:$0x3700] =	vst v20  }
0x150: {  	s31 =	simm.s32 $0x3680;
	[tilespmem:$0x3710] =	vst v19  }
0x151: {  	[spmem:s11] =	stream.linear.scatter [tilespmem:s31], [sflag:$0x4], $0xA0, $0x38;
	[tilespmem:$0x5208] =	vst v63  }
0x152: {  	_ =	swait.ge [sflag:s18], $0x280  }
0x153: {  	[sflag:s18] =	ssyncset.done $0x0  }
0x154: {  	[sflag:s18] =	ssyncadd.s32 $0xFFFFFD80  }
.Ltmp7:
0x155: {  	_ =	swait.ge [sflag:s18], $0xA0;
	(pc) =	sbr.rel @p1 .LBB2_26-.Ltmp7, $3  }
0x156: {  	[sflag:s18] =	ssyncset.done $0x0  }
0x157: {  	[sflag:s18] =	ssyncadd.s32 $0xFFFFFF60  }
0x158: {  	[bflag:$0x0] =	sbarrier.arrive $0xFFFF;
	_ =	sdelay $0x1  }
0x159: {  	s0 =	simm.s32 $0x3AA0  }
0x15a: {  	[tilespmem:s0], [sflag:$0x5] =	stream.linear.gather [spmem:s12], $0x40, $0x38;
	[tilespmem:$0x5208] =	vst v63  }
0x15b: {  	s31 =	rddreg [dreg:$0xa];
	s1 =	simm.s32 $0x3AE0  }
0x15c: {  	[tilespmem:s1], [sflag:$0x5] =	stream.linear.gather [spmem:s31], $0x40, $0x38;
	[tilespmem:$0x5208] =	vst v63  }
0x15d: {  	s5 =	simm.s32 $0x3B20;
	s1 =	rddreg [dreg:$0xb]  }
0x15e: {  	[tilespmem:s5], [sflag:$0x5] =	stream.linear.gather [spmem:s1], $0x40, $0x38;
	[tilespmem:$0x5208] =	vst v63  }
0x15f: {  	s24 =	rddreg [dreg:$0xc];
	s25 =	simm.s32 $0x3B60  }
0x160: {  	[tilespmem:s25], [sflag:$0x5] =	stream.linear.gather [spmem:s24], $0x40, $0x38;
	[tilespmem:$0x5208] =	vst v63  }
0x161: {  	s26 =	rddreg [dreg:$0xd];
	s28 =	simm.s32 $0x3BA0  }
0x162: {  	[tilespmem:s28], [sflag:$0x5] =	stream.linear.gather [spmem:s26], $0x40, $0x38;
	[tilespmem:$0x5208] =	vst v63  }
0x163: {  	s30 =	rddreg [dreg:$0xe];
	s31 =	simm.s32 $0x3BE0  }
0x164: {  	[tilespmem:s31], [sflag:$0x5] =	stream.linear.gather [spmem:s30], $0x40, $0x38;
	[tilespmem:$0x5208] =	vst v63  }
0x165: {  	s1 =	rddreg [dreg:$0xf];
	s5 =	simm.s32 $0x3C20  }
0x166: {  	[tilespmem:s5], [sflag:$0x5] =	stream.linear.gather [spmem:s1], $0x40, $0x38;
	[tilespmem:$0x5208] =	vst v63  }
0x167: {  	s24 =	rddreg [dreg:$0x10];
	s25 =	simm.s32 $0x3C60  }
0x168: {  	[tilespmem:s25], [sflag:$0x5] =	stream.linear.gather [spmem:s24], $0x40, $0x38;
	[tilespmem:$0x5208] =	vst v63  }
0x169: {  	s26 =	rddreg [dreg:$0x11];
	s28 =	simm.s32 $0x3CA0  }
0x16a: {  	[tilespmem:s28], [sflag:$0x5] =	stream.linear.gather [spmem:s26], $0x40, $0x38;
	[tilespmem:$0x5208] =	vst v63  }
0x16b: {  	s30 =	rddreg [dreg:$0x12];
	s31 =	simm.s32 $0x3CE0  }
0x16c: {  	[tilespmem:s31], [sflag:$0x5] =	stream.linear.gather [spmem:s30], $0x40, $0x38;
	[tilespmem:$0x5208] =	vst v63  }
0x16d: {  	s1 =	rddreg [dreg:$0x13];
	s5 =	simm.s32 $0x3D20  }
0x16e: {  	[tilespmem:s5], [sflag:$0x5] =	stream.linear.gather [spmem:s1], $0x40, $0x38;
	[tilespmem:$0x5208] =	vst v63  }
0x16f: {  	s24 =	rddreg [dreg:$0x14];
	s25 =	simm.s32 $0x3D60  }
0x170: {  	[tilespmem:s25], [sflag:$0x5] =	stream.linear.gather [spmem:s24], $0x40, $0x38;
	[tilespmem:$0x5208] =	vst v63  }
0x171: {  	s26 =	rddreg [dreg:$0x15];
	s28 =	simm.s32 $0x3DA0  }
0x172: {  	[tilespmem:s28], [sflag:$0x5] =	stream.linear.gather [spmem:s26], $0x40, $0x38;
	[tilespmem:$0x5208] =	vst v63  }
0x173: {  	s30 =	rddreg [dreg:$0x16];
	s31 =	simm.s32 $0x3DE0  }
0x174: {  	[tilespmem:s31], [sflag:$0x5] =	stream.linear.gather [spmem:s30], $0x40, $0x38;
	[tilespmem:$0x5208] =	vst v63  }
0x175: {  	s5 =	rddreg [dreg:$0x17];
	s24 =	simm.s32 $0x3E20  }
0x176: {  	[tilespmem:s24], [sflag:$0x5] =	stream.linear.gather [spmem:s5], $0x40, $0x38;
	[tilespmem:$0x5208] =	vst v63  }
0x177: {  	s25 =	rddreg [dreg:$0x18];
	s26 =	simm.s32 $0x3E60  }
0x178: {  	[tilespmem:s26], [sflag:$0x5] =	stream.linear.gather [spmem:s25], $0x40, $0x38;
	[tilespmem:$0x5208] =	vst v63  }
0x179: {  	s28 =	simm.s32 $0x3EA0  }
0x17a: {  	[tilespmem:s28], [sflag:$0x6] =	stream.linear.gather [spmem:s9], $0xA00, $0x38;
	[tilespmem:$0x5208] =	vst v63  }
0x17b: {  	_ =	swait.ge [sflag:s19], $0xA00  }
0x17c: {  	[sflag:s19] =	ssyncset.done $0x0  }
0x17d: {  	[sflag:s19] =	ssyncadd.s32 $0xFFFFF600  }
0x17e: {  	_ =	swait.ge [sflag:s20], $0x400  }
0x17f: {  	[sflag:s20] =	ssyncset.done $0x0  }
0x180: {  	[sflag:s20] =	ssyncadd.s32 $0xFFFFFC00  }
0x181: {  	v19 =	vld [tilespmem:s13+$0x3EA0]  }
0x182: {  	v20 =	vld [tilespmem:s13+$0x3F40]  }
0x183: {  	v21 =	vld [tilespmem:s13+$0x3FE0]  }
0x184: {  	v22 =	vld [tilespmem:s13+$0x4080]  }
0x185: {  	v23 =	vld [tilespmem:s13+$0x4120]  }
0x186: {  	v24 =	vld [tilespmem:s13+$0x41C0]  }
0x187: {  	v25 =	vld [tilespmem:s13+$0x4260]  }
0x188: {  	v26 =	vld [tilespmem:s13+$0x4300]  }
0x189: {  	v27 =	vld [tilespmem:s13+$0x43A0]  }
0x18a: {  	v28 =	vld [tilespmem:s13+$0x4440]  }
0x18b: {  	v29 =	vld [tilespmem:s13+$0x44E0]  }
0x18c: {  	v30 =	vld [tilespmem:s13+$0x4580]  }
0x18d: {  	v36 =	vld [tilespmem:$0x3AA0]  }
0x18e: {  	s30 =	simm.s32 $0x0;
	v39 =	vld [tilespmem:$0x3AB0]  }
0x18f: {  	v37 =	vld [tilespmem:s30+$0x3AE0]  }
0x190: {  	v40 =	vld [tilespmem:s30+$0x3AF0]  }
0x191: {  	v31 =	vld [tilespmem:s13+$0x4620]  }
0x192: {  	v32 =	vld [tilespmem:s13+$0x46C0]  }
0x193: {  	v33 =	vld [tilespmem:s13+$0x4760]  }
0x194: {  	s31 =	simm.s32 $0x40;
	v34 =	vld [tilespmem:s13+$0x4800]  }
0x195: {  	v35 =	vld [tilespmem:s31+$0x3AE0];
	vm2 =	vlt.s32 v36, v37;
	vm3 =	vlt.s32 v39, v40  }
0x196: {  	s0 =	simm.s32 $0x200;
	v38 =	vsel vm2, v37, v36;
	v36 =	vsel vm2, v36, v37;
	v37 =	vld [tilespmem:s31+$0x3AF0];
	v39 =	vsel vm3, v39, v40  }
.LBB2_13:
0x197: {  	p2 =	sne.s32 s0, $0xE00;
	vm2 =	vlt.s32 v39, v38;
	s1 =	smov.u32 s0;
	s0 =	sadd.s32 $0x100, s0  }
.Ltmp8:
0x198: {  	v39 =	vsel vm2, v39, v38;
	(pc) =	sbr.rel @p2 .LBB2_13-.Ltmp8, $4  }
0x199: {  	_ = 	snop  }
0x19a: {  	s1 =	sshra.s32 s1, $0x2;
	vm2 =	vlt.s32 v36, v35  }
0x19b: {  	vm3 =	vlt.s32 v39, v37;
	v38 =	vsel vm2, v35, v36;
	v36 =	vsel vm2, v36, v35;
	v35 =	vld [tilespmem:s1+$0x3AE0]  }
0x19c: {  	v39 =	vsel vm3, v39, v37;
	v37 =	vld [tilespmem:s1+$0x3AF0]  }
0x19d: {  	v41 =	vld [tilespmem:$0x3AC0]  }
0x19e: {  	v42 =	vld [tilespmem:$0x3AD0];
	s0 =	simm.s32 $0x0  }
0x19f: {  	v43 =	vld [tilespmem:s0+$0x3B00]  }
0x1a0: {  	vm2 =	vlt.s32 v39, v38;
	v44 =	vld [tilespmem:s0+$0x3B10]  }
0x1a1: {  	v38 =	vsel vm2, v39, v38  }
0x1a2: {  	vm2 =	vlt.s32 v36, v35;
	vm3 =	vlt.s32 v38, v37  }
0x1a3: {  	v63 =	vsel vm2, v35, v36;
	v37 =	vsel vm3, v38, v37  }
0x1a4: {  	s1 =	simm.s32 $0x40;
	v40 =	vsel vm2, v36, v35;
	vm2 =	vlt.s32 v37, v63  }
0x1a5: {  	v35 =	vld [tilespmem:s1+$0x3B00];
	vm3 =	vlt.s32 v42, v44;
	v39 =	vsel vm2, v37, v63;
	vm2 =	vlt.s32 v41, v43  }
0x1a6: {  	s0 =	simm.s32 $0x200;
	v37 =	vld [tilespmem:s1+$0x3B10];
	v38 =	vsel vm2, v43, v41;
	v36 =	vsel vm2, v41, v43;
	v41 =	vsel vm3, v42, v44  }
.LBB2_15:
0x1a7: {  	p2 =	sne.s32 s0, $0xE00;
	vm2 =	vlt.s32 v41, v38;
	s1 =	smov.u32 s0;
	s0 =	sadd.s32 $0x100, s0  }
.Ltmp9:
0x1a8: {  	v41 =	vsel vm2, v41, v38;
	(pc) =	sbr.rel @p2 .LBB2_15-.Ltmp9, $4  }
0x1a9: {  	_ = 	snop  }
0x1aa: {  	s1 =	sshra.s32 s1, $0x2;
	vm2 =	vlt.s32 v36, v35  }
0x1ab: {  	vm3 =	vlt.s32 v41, v37;
	v38 =	vsel vm2, v35, v36;
	v36 =	vsel vm2, v36, v35;
	v35 =	vld [tilespmem:s1+$0x3B00]  }
0x1ac: {  	v41 =	vsel vm3, v41, v37;
	v37 =	vld [tilespmem:s1+$0x3B10]  }
0x1ad: {  	v19 =	vadd.s32 v19, v20  }
0x1ae: {  	v19 =	vadd.s32 v19, v21  }
0x1af: {  	v19 =	vadd.s32 v19, v22  }
0x1b0: {  	v19 =	vadd.s32 v19, v23  }
0x1b1: {  	v19 =	vadd.s32 v19, v24  }
0x1b2: {  	v19 =	vadd.s32 v19, v25  }
0x1b3: {  	v19 =	vadd.s32 v19, v26  }
0x1b4: {  	v19 =	vadd.s32 v19, v27  }
0x1b5: {  	v19 =	vadd.s32 v19, v28  }
0x1b6: {  	v19 =	vadd.s32 v19, v29  }
0x1b7: {  	v19 =	vadd.s32 v19, v30  }
0x1b8: {  	v19 =	vadd.s32 v19, v31  }
0x1b9: {  	v19 =	vadd.s32 v19, v32  }
0x1ba: {  	v19 =	vadd.s32 v19, v33  }
0x1bb: {  	v19 =	vadd.s32 v19, v34  }
0x1bc: {  	(xrf0) =	vadd.scan.msk.s32 $0xffff, v19;
	v19 =	vxor.u32 $0x80000000, v40  }
0x1bd: {  	(xrf0) =	vmin.scan.msk.u32 $0xffff, v19;
	_ =	sdelay $0x4  }
0x1be: {  	v20, _, _ =	vpop (xrf0)  }
0x1bf: {  	v55, _, _ =	vpop (xrf0)  }
0x1c0: {  	(v2sf) =	vpush v55, $0xF;
	_ =	sdelay $0xe  }
0x1c1: {  	s0 =	spop (v2sf)  }
0x1c2: {  	s0 =	sxor.u32 $0x80000000, s0  }
0x1c3: {  	vm2 =	veq.s32 v40, s0  }
0x1c4: {  	v56 =	vxor.u32 $0x80000000, v39;
	vm3 =	vlt.s32 v36, v35;
	v19 =	vsel vm2, $0xC0000000, v19  }
0x1c5: {  	v57 =	vsel vm3, v36, v35;
	(xrf0) =	vmin.scan.msk.u32 $0xffff, v19;
	v19 =	vnsel vm2, $0xC0000000, v56  }
0x1c6: {  	(xrf0) =	vmin.scan.msk.u32 $0xffff, v19;
	v19 =	vxor.u32 $0x80000000, v57  }
0x1c7: {  	(xrf0) =	vmin.scan.msk.u32 $0xffff, v19;
	_ =	sdelay $0x3  }
0x1c8: {  	v58, _, _ =	vpop (xrf0)  }
0x1c9: {  	(v2sf) =	vpush v58, $0xF;
	v59, _, _ =	vpop (xrf0)  }
0x1ca: {  	(v2sf) =	vpush v59, $0xF;
	v60, _, _ =	vpop (xrf0)  }
0x1cb: {  	(v2sf) =	vpush v60, $0xF;
	_ =	sdelay $0xb  }
0x1cc: {  	vm2 =	vlt.s32 v41, v38  }
0x1cd: {  	v61 =	vsel vm2, v41, v38;
	s1 =	spop (v2sf)  }
0x1ce: {  	vm2 =	vlt.s32 v61, v37;
	s5 =	spop (v2sf)  }
0x1cf: {  	v62 =	vsel vm3, v35, v36;
	v21 =	vsel vm2, v61, v37;
	s24 =	spop (v2sf)  }
0x1d0: {  	vm2 =	vlt.s32 v21, v62;
	s24 =	sxor.u32 $0x80000000, s24  }
0x1d1: {  	v21 =	vsel vm2, v21, v62;
	vm2 =	veq.s32 v57, s24  }
0x1d2: {  	v21 =	vxor.u32 $0x80000000, v21;
	v19 =	vsel vm2, $0xC0000000, v19  }
0x1d3: {  	(xrf0) =	vmin.scan.msk.u32 $0xffff, v19;
	v19 =	vnsel vm2, $0xC0000000, v21  }
0x1d4: {  	(xrf0) =	vmin.scan.msk.u32 $0xffff, v19;
	_ =	sdelay $0x4  }
0x1d5: {  	v19, _, _ =	vpop (xrf0)  }
0x1d6: {  	(v2sf) =	vpush v19, $0xF;
	v19, _, _ =	vpop (xrf0)  }
0x1d7: {  	(v2sf) =	vpush v19, $0xF;
	_ =	sdelay $0xd  }
0x1d8: {  	s1 =	sxor.u32 $0x80000000, s1;
	s5 =	sxor.u32 $0x80000000, s5;
	v19 =	vbroadcast v20, $0xF;
	s25 =	spop (v2sf)  }
0x1d9: {  	p2 =	slt.s32 s1, s5;
	vm2 =	veq.s32 v1, v0;
	s26 =	spop (v2sf)  }
0x1da: {  	s5 =	smov.u32 @p2 s1;
	v20 =	vmov s0;
	v19 =	vnsel vm2, $0x0, v19;
	s0 =	sxor.u32 $0x80000000, s25;
	s1 =	sxor.u32 $0x80000000, s26  }
0x1db: {  	v63 =	vmov s5;
	[tilespmem:$0x48A0] =	vst v19;
	v19 =	vnsel vm2, $0x0, v20;
	p2 =	slt.s32 s0, s1  }
0x1dc: {  	v20 =	vmov s24;
	[tilespmem:$0x48B0] =	vst v19;
	v19 =	vnsel vm2, $0x0, v63;
	s1 =	smov.u32 @p2 s0  }
0x1dd: {  	[tilespmem:$0x48C0] =	vst v19;
	v19 =	vnsel vm2, $0x0, v20;
	v20 =	vmov s1  }
0x1de: {  	[tilespmem:$0x48D0] =	vst v19;
	v19 =	vnsel vm2, $0x0, v20  }
0x1df: {  	s30 =	rddreg [dreg:$0x8];
	s31 =	simm.s32 $0x48A0;
	[tilespmem:$0x48E0] =	vst v19  }
0x1e0: {  	[spmem:s30] =	stream.linear.scatter [tilespmem:s31], [sflag:$0x6], $0x50, $0x38;
	[tilespmem:$0x5208] =	vst v63  }
.Ltmp10:
0x1e1: {  	_ =	swait.ge [sflag:s19], $0x50;
	(pc) =	sbr.rel @p0 .LBB2_20-.Ltmp10, $4  }
0x1e2: {  	[sflag:s19] =	ssyncset.done $0x0  }
0x1e3: {  	[sflag:s19] =	ssyncadd.s32 $0xFFFFFFB0  }
0x1e4: {  	[bflag:$0x0] =	sbarrier.arrive $0xFFFF  }
0x1e5: {  	p2 =	por $0x0, $0x0  }
0x1e6: {  	s0 =	rddreg [dreg:$0x3];
	s1 =	simm.s32 $0x4958  }
0x1e7: {  	[tilespmem:s1], [sflag:$0x6] =	stream.linear.gather [spmem:s0], $0x380, $0x38;
	[tilespmem:$0x5208] =	vst v63  }
0x1e8: {  	_ =	swait.ge [sflag:s19], $0x380  }
0x1e9: {  	[sflag:s19] =	ssyncset.done $0x0  }
0x1ea: {  	[sflag:s19] =	ssyncadd.s32 $0xFFFFFC80  }
0x1eb: {  	v19 =	vld [tilespmem:$0x4958]  }
0x1ec: {  	v20 =	vld [tilespmem:$0x49A8]  }
0x1ed: {  	v21 =	vld [tilespmem:$0x49F8]  }
0x1ee: {  	v22 =	vld [tilespmem:$0x4A48]  }
0x1ef: {  	v23 =	vld [tilespmem:$0x4A98]  }
0x1f0: {  	v24 =	vld [tilespmem:$0x4AE8]  }
0x1f1: {  	v25 =	vld [tilespmem:$0x4B38]  }
0x1f2: {  	v26 =	vld [tilespmem:$0x4B88]  }
0x1f3: {  	v27 =	vld [tilespmem:$0x4BD8]  }
0x1f4: {  	v28 =	vld [tilespmem:$0x4C28]  }
0x1f5: {  	v29 =	vld [tilespmem:$0x4968]  }
0x1f6: {  	v30 =	vld [tilespmem:$0x49B8]  }
0x1f7: {  	v31 =	vld [tilespmem:$0x4A08]  }
0x1f8: {  	v32 =	vld [tilespmem:$0x4A58]  }
0x1f9: {  	v33 =	vld [tilespmem:$0x4AA8]  }
0x1fa: {  	v34 =	vld [tilespmem:$0x4AF8]  }
0x1fb: {  	v35 =	vld [tilespmem:$0x4B48]  }
0x1fc: {  	v36 =	vld [tilespmem:$0x4B98]  }
0x1fd: {  	v37 =	vld [tilespmem:$0x4BE8]  }
0x1fe: {  	v38 =	vld [tilespmem:$0x4C38]  }
0x1ff: {  	v39 =	vld [tilespmem:$0x4978]  }
0x200: {  	v40 =	vld [tilespmem:$0x49C8]  }
0x201: {  	v41 =	vld [tilespmem:$0x4A18]  }
0x202: {  	v42 =	vld [tilespmem:$0x4A68]  }
0x203: {  	v43 =	vld [tilespmem:$0x4AB8]  }
0x204: {  	v44 =	vld [tilespmem:$0x4B08]  }
0x205: {  	v45 =	vld [tilespmem:$0x4B58]  }
0x206: {  	v46 =	vld [tilespmem:$0x4BA8]  }
0x207: {  	v47 =	vld [tilespmem:$0x4998]  }
0x208: {  	v48 =	vld [tilespmem:$0x49E8]  }
0x209: {  	v49 =	vld [tilespmem:$0x4A38]  }
0x20a: {  	v50 =	vld [tilespmem:$0x4A88]  }
0x20b: {  	v51 =	vld [tilespmem:$0x4AD8]  }
0x20c: {  	v58 =	vld [tilespmem:$0x4B78]  }
0x20d: {  	v59 =	vld [tilespmem:$0x4BC8];
	v19 =	vadd.s32 v19, v20  }
0x20e: {  	v60 =	vld [tilespmem:$0x49D8];
	v19 =	vadd.s32 v19, v21  }
0x20f: {  	v20 =	vld [tilespmem:$0x4B28];
	v19 =	vadd.s32 v19, v22  }
0x210: {  	v62 =	vld [tilespmem:$0x4A78];
	v21 =	vadd.s32 v47, v48;
	v19 =	vadd.s32 v19, v23  }
0x211: {  	s26 =	simm.s32 $0x0;
	v63 =	vld [tilespmem:$0x4AC8];
	v21 =	vadd.s32 v21, v49;
	v19 =	vadd.s32 v19, v24  }
0x212: {  	v61 =	vmov s26;
	v57 =	vld [tilespmem:$0x4C18];
	v21 =	vadd.s32 v21, v50;
	v19 =	vadd.s32 v19, v25  }
0x213: {  	s25 =	simm.s32 $0x2;
	vm2 =	veq.s32 v61, v0;
	v23 =	vld [tilespmem:$0x4988];
	v21 =	vadd.s32 v21, v51;
	v19 =	vadd.s32 v19, v26  }
0x214: {  	v61 =	vmov s25;
	v20 =	vadd.s32 v21, v20;
	v21 =	vld [tilespmem:$0x4A28];
	v19 =	vadd.s32 v19, v27  }
0x215: {  	v52 =	vld [tilespmem:$0x4C48];
	v29 =	vadd.s32 v29, v30;
	v39 =	vadd.s32 v39, v40;
	v19 =	vadd.s32 v19, v28  }
0x216: {  	v54 =	vld [tilespmem:$0x4BB8];
	v29 =	vadd.s32 v29, v31;
	v48 =	vadd.s32 v39, v41;
	v40 =	vnsel vm2, $0x0, v19  }
0x217: {  	v47 =	vld [tilespmem:$0x4B18];
	v49 =	vadd.s32 v29, v32;
	v24 =	vadd.s32 v48, v42;
	v20 =	vadd.s32 v20, v58;
	(xrf0) =	vadd.scan.msk.s32 $0xffff, v40  }
0x218: {  	v50 =	vld [tilespmem:$0x4B68];
	v51 =	vadd.s32 v49, v33;
	v20 =	vadd.s32 v20, v59;
	v23 =	vadd.s32 v23, v60  }
0x219: {  	s26 =	simm.s32 $0x1;
	v22 =	vld [tilespmem:$0x4BF8];
	v53 =	vadd.s32 v51, v34;
	v20 =	vadd.s32 v20, v57;
	v21 =	vadd.s32 v23, v21  }
0x21a: {  	v59 =	vld [tilespmem:$0x4C68];
	v60 =	vmov s26;
	v23 =	vadd.s32 v24, v43;
	v21 =	vadd.s32 v21, v62  }
0x21b: {  	v55 =	vld [tilespmem:$0x4C08];
	v24 =	vadd.s32 v53, v35;
	v23 =	vadd.s32 v23, v44;
	v21 =	vadd.s32 v21, v63  }
0x21c: {  	v56 =	vld [tilespmem:$0x4C58];
	v24 =	vadd.s32 v24, v36;
	v23 =	vadd.s32 v23, v45;
	v21 =	vadd.s32 v21, v47  }
0x21d: {  	v24 =	vadd.s32 v24, v37;
	v23 =	vadd.s32 v23, v46;
	v21 =	vadd.s32 v21, v50;
	v58, _, _ =	vpop (xrf0)  }
0x21e: {  	v22 =	vadd.s32 v23, v22;
	v23 =	vadd.s32 v24, v38;
	(v2sf) =	vpush v58, $0xF  }
0x21f: {  	v20 =	vadd.s32 v20, v59;
	vm2 =	vgt.s32 v23, $0x0;
	v21 =	vadd.s32 v21, v54  }
0x220: {  	v22 =	vadd.s32 v22, v52;
	v23 =	vnsel vm2, $0x0, v23;
	v21 =	vadd.s32 v21, v55  }
0x221: {  	vm2 =	vgt.s32 v22, $0x0;
	v23 =	vmin.u32 v23, $0x3FFF;
	v21 =	vadd.s32 v21, v56  }
0x222: {  	v22 =	vnsel vm2, $0x0, v22;
	v23 =	vmul.u32 $0xA, v23;
	vm2 =	vgt.s32 v21, $0x0  }
0x223: {  	v22 =	vmin.u32 v22, $0x3FFF;
	v21 =	vnsel vm2, $0x0, v21;
	vm2 =	vgt.s32 v20, $0x0  }
0x224: {  	v23 =	vadd.s32 v18, v23;
	v20 =	vnsel vm2, $0x0, v20;
	vm2 =	veq.s32 v60, v0  }
0x225: {  	s24 =	simm.s32 $0x3;
	v22 =	vmul.u32 $0xA, v22;
	v21 =	vmin.u32 v21, $0x3FFF;
	[tilespmem:$0x4CD8] =	vst v23;
	v23 =	vnsel vm2, $0x0, v19  }
0x226: {  	v62 =	vmov s24;
	v21 =	vmul.u32 $0xA, v21;
	v20 =	vmin.u32 v20, $0x3FFF;
	(xrf0) =	vadd.scan.msk.s32 $0xffff, v23  }
0x227: {  	v22 =	vadd.s32 v18, v22;
	vm2 =	veq.s32 v61, v0;
	v20 =	vmul.u32 $0xA, v20  }
0x228: {  	v23 =	vnsel vm2, $0x0, v19;
	vm2 =	veq.s32 v62, v0;
	[tilespmem:$0x4CE8] =	vst v22;
	v21 =	vadd.s32 v18, v21  }
0x229: {  	s31 =	simm.s32 $0x40;
	(xrf0) =	vadd.scan.msk.s32 $0xffff, v23;
	v22 =	vnsel vm2, $0x0, v19;
	[tilespmem:$0x4CF8] =	vst v21;
	v20 =	vadd.s32 v18, v20  }
0x22a: {  	s5 =	simm.s32 $0x4CD8;
	s28 =	simm.s32 $0x4D58;
	s30 =	rddreg [dreg:$0x7];
	(xrf0) =	vadd.scan.msk.s32 $0xffff, v22;
	[tilespmem:$0x4D08] =	vst v20  }
0x22b: {  	[tilespmem:s28], [sflag:$0x1] =	stream.indirect.gather [hbm4b:s30+s31], $0x1, s5, s31, $0xb8;
	[tilespmem:$0x5208] =	vst v63  }
0x22c: {  	s28 =	simm.s32 $0x4;
	v22, _, _ =	vpop (xrf0)  }
0x22d: {  	v23 =	vmov s28;
	s5 =	spop (v2sf);
	(v2sf) =	vpush v22, $0xF  }
0x22e: {  	v20 =	vshll.u32 v19, $0x4  }
0x22f: {  	vm2 =	vmmov $0x3ff;
	v20 =	vor.u32 v0, v20;
	v22, _, _ =	vpop (xrf0)  }
0x230: {  	v20 =	vnsel vm2, $0x40000000, v20;
	vm2 =	veq.s32 v23, v0;
	(v2sf) =	vpush v22, $0xF;
	v23, _, _ =	vpop (xrf0)  }
0x231: {  	(v2sf) =	vpush v23, $0xF;
	_ =	sdelay $0x5  }
0x232: {  	s30 =	sshll.u32 s5, $0x4;
	v22 =	vnsel vm2, $0x0, v19  }
0x233: {  	s31 =	scvt.s32.f32 s5;
	s1 =	sadd.s32 $0x0, s30;
	(xrf0) =	vadd.scan.msk.s32 $0xffff, v22  }
0x234: {  	v63 =	vmov s1  }
0x235: {  	s0 =	simm.s32 $0x5;
	v21 =	vimm.f32 $0.0e+00;
	v22 =	vmov s31;
	vm2 =	vgt.s32 v63, v20  }
.LBB2_18:
0x236: {  	v23 =	vmov s0;
	p2 =	sne.s32 s0, $0x9;
	v22 =	vsel vm2, $0x0, v22;
	s1 =	smov.u32 s0;
	s0 =	sadd.s32 $0x1, s0  }
.Ltmp11:
0x237: {  	vm2 =	veq.s32 v23, v0;
	s5 =	spop (v2sf);
	v21 =	vadd.f32 v22, v21;
	(pc) =	sbr.rel @p2 .LBB2_18-.Ltmp11, $4  }
0x238: {  	v23 =	vnsel vm2, $0x0, v19;
	s30 =	sshll.u32 s5, $0x4  }
0x239: {  	s5 =	scvt.s32.f32 s5;
	(xrf0) =	vadd.scan.msk.s32 $0xffff, v23;
	v22, _, _ =	vpop (xrf0);
	s30 =	sadd.s32 s30, s26;
	s26 =	smov.u32 s25  }
0x23a: {  	s25 =	smov.u32 s24;
	s24 =	smov.u32 s28;
	s28 =	smov.u32 s1;
	(v2sf) =	vpush v22, $0xF;
	v22 =	vmov s30  }
0x23b: {  	vm2 =	vgt.s32 v22, v20;
	v22 =	vmov s5  }
0x23c: {  	_ =	sdelay $0x2  }
0x23d: {  	v23, _, _ =	vpop (xrf0)  }
0x23e: {  	(v2sf) =	vpush v23, $0xF;
	_ =	sdelay $0x8  }
0x23f: {  	s0 =	spop (v2sf)  }
0x240: {  	s1 =	sshll.u32 s0, $0x4  }
0x241: {  	s0 =	scvt.s32.f32 s0;
	s5 =	spop (v2sf);
	s1 =	sadd.s32 s1, s26  }
0x242: {  	v22 =	vsel vm2, $0x0, v22;
	s31 =	sshll.u32 s5, $0x4;
	v51 =	vmov s1;
	s30 =	spop (v2sf)  }
0x243: {  	v21 =	vadd.f32 v22, v21;
	s26 =	scvt.s32.f32 s5;
	v52 =	vmov s0;
	s25 =	sadd.s32 s31, s25;
	vm2 =	vgt.s32 v51, v20;
	s31 =	sshll.u32 s30, $0x4  }
0x244: {  	v53 =	vmov s25;
	v22 =	vsel vm2, $0x0, v52;
	s0 =	sadd.s32 s31, s24  }
0x245: {  	v54 =	vmov s26;
	vm2 =	vgt.s32 v53, v20;
	v21 =	vadd.f32 v22, v21;
	s24 =	scvt.s32.f32 s30;
	s31 =	simm.s32 $0x1;
	s25 =	spop (v2sf)  }
0x246: {  	v22 =	vsel vm2, $0x0, v54;
	v55 =	vmov s0;
	s26 =	sshll.u32 s25, $0x4;
	_ =	swait.ge [sflag:s31], $0x40  }
0x247: {  	v21 =	vadd.f32 v22, v21;
	vm2 =	vgt.s32 v55, v20;
	v56 =	vmov s24;
	s30 =	scvt.s32.f32 s25;
	s0 =	sadd.s32 s26, s28;
	[sflag:s31] =	ssyncset.done $0x0  }
0x248: {  	v22 =	vsel vm2, $0x0, v56;
	v57 =	vmov s0;
	[sflag:s31] =	ssyncadd.s32 $0xFFFFFFC0  }
0x249: {  	v21 =	vadd.f32 v22, v21;
	vm2 =	vgt.s32 v57, v20;
	v20 =	vmov s30;
	v58 =	vld [tilespmem:$0x4D58]  }
0x24a: {  	v59 =	vld [tilespmem:$0x4D68];
	v20 =	vsel vm2, $0x0, v20  }
0x24b: {  	v25 =	vld [tilespmem:$0x4D88];
	v20 =	vadd.f32 v20, v21;
	_ =	sdelay $0x1  }
0x24c: {  	v24 =	vcvt.s32.f32 v19;
	vm2 =	vle.f32 v20, $6.553600090e+03;
	v20 =	vld [tilespmem:$0x4D78]  }
0x24d: {  	[tilespmem:$0x4DE8] =	vst v58  }
0x24e: {  	v61 =	vsub.f32 $1.638400000e+04, v24;
	[tilespmem:$0x4DF8] =	vst v59  }
0x24f: {  	v60 =	vsel vm2, $0x3F800000, v16;
	[tilespmem:$0x4E18] =	vst v25  }
0x250: {  	vm3 =	vge.f32 v61, $1.000000000e+00;
	vm2 =	vgt.s32 v19, $0x1;
	[tilespmem:$0x4DD8] =	vst v60  }
0x251: {  	v19 =	vsel vm2, $0x3F800000, v16;
	vm2 =	vge.f32 v61, $2.000000000e+00;
	[tilespmem:$0x4E08] =	vst v20;
	v20 =	vsel vm3, $0x3F800000, v16  }
0x252: {  	v62 =	vsel vm2, $0x3F800000, v16;
	[tilespmem:$0x4E28] =	vst v20;
	v20 =	vmul.f32 v20, v19  }
0x253: {  	v63 =	vmin.f32 v24, $2.000000000e+00;
	v21 =	vmin.f32 v61, $2.000000000e+00;
	[tilespmem:$0x4E38] =	vst v62;
	v19 =	vmul.f32 v62, v19  }
0x254: {  	[tilespmem:$0x4E48] =	vst v20;
	v20 =	vmul.f32 v21, v63  }
0x255: {  	[tilespmem:$0x4E58] =	vst v19  }
.Ltmp12:
0x256: {  	[tilespmem:$0x4E68] =	vst v20;
	(pc) =	sbr.rel .LBB2_20-.Ltmp12, $4  }
0x257: {  	[spmem:s2] =	stream.linear.scatter [tilespmem:s21], [sflag:$0x6], $0x100, $0x38;
	[tilespmem:$0x5208] =	vst v63  }
0x258: {  	_ =	swait.ge [sflag:s19], $0x100  }
0x259: {  	[sflag:s19] =	ssyncset.done $0x0  }
0x25a: {  	p2 =	por $0x1, $0x1;
	[sflag:s19] =	ssyncadd.s32 $0xFFFFFF00  }
.LBB2_26:
0x25b: {  	[bflag:$0x0] =	sbarrier.arrive $0xFFFF;
	p2 =	por $0x0, $0x0  }
.LBB2_20:
0x25c: {  	[bflag:$0x0] =	sbarrier.arrive $0xFFFF  }
0x25d: {  	[tilespmem:s21], [sflag:$0x6] =	stream.linear.gather [spmem:s2], $0x100, $0x38;
	[tilespmem:$0x5208] =	vst v63  }
0x25e: {  	_ =	swait.ge [sflag:s19], $0x100  }
0x25f: {  	[sflag:s19] =	ssyncset.done $0x0  }
0x260: {  	s0 =	simm.s32 $0x0;
	[sflag:s19] =	ssyncadd.s32 $0xFFFFFF00  }
0x261: {  	v20 =	vld.idx.msk [tilespmem:v2+s0+$0x0 ss:$0x1], $0xffff;
	_ =	sdelay $0x4  }
0x262: {  	v19 =	vadd.s32 $0x20, v20  }
0x263: {  	v22 =	vadd.s32 $0x10, v20  }
0x264: {  	s25 =	simm.s32 $0x10;
	v26 =	vld.idx.msk [tilespmem:v4+s0+$0x0 ss:$0x1], $0xffff;
	v23 =	vadd.s32 $0x30, v20  }
0x265: {  	v21 =	vld.idx.msk [tilespmem:v2+s25+$0x0 ss:$0x1], $0xffff;
	v24 =	vadd.s32 $0x40, v20  }
0x266: {  	v27 =	vld.idx.msk [tilespmem:v5+s0+$0x0 ss:$0x1], $0xffff  }
0x267: {  	v25 =	vadd.s32 $0x90, v20;
	v28 =	vld.idx.msk [tilespmem:v19+s21+$0x0], $0xffff  }
0x268: {  	v22 =	vld.idx.msk [tilespmem:v22+s21+$0x0], $0xffff  }
0x269: {  	v23 =	vld.idx.msk [tilespmem:v23+s21+$0x0], $0xffff  }
0x26a: {  	v31 =	vadd.s32 $0x50, v20;
	v30 =	vld.idx.msk [tilespmem:v24+s21+$0x0], $0xffff  }
0x26b: {  	v29 =	vld.idx.msk [tilespmem:v4+s25+$0x0 ss:$0x1], $0xffff;
	v32 =	vadd.s32 $0x60, v20  }
0x26c: {  	s24 =	simm.s32 $0x20;
	v33 =	vadd.s32 $0x80, v20;
	v19 =	vld.idx.msk [tilespmem:v25+s21+$0x0], $0xffff  }
0x26d: {  	v34 =	vadd.s32 $0x70, v20;
	v24 =	vld.idx.msk [tilespmem:v2+s24+$0x0 ss:$0x1], $0xffff  }
0x26e: {  	v35 =	vadd.s32 $0x20, v21;
	v25 =	vld.idx.msk [tilespmem:v20+s21+$0x0], $0xffff;
	v22 =	vsub.f32 v26, v22;
	v23 =	vsub.f32 v26, v23  }
0x26f: {  	v38 =	vadd.s32 $0x30, v21;
	v39 =	vld.idx.msk [tilespmem:v31+s21+$0x0], $0xffff;
	v30 =	vsub.f32 v26, v30;
	v26 =	vsub.f32 v26, v28  }
0x270: {  	v36 =	vadd.s32 $0x10, v21;
	v41 =	vadd.s32 $0x40, v21;
	v40 =	vld.idx.msk [tilespmem:v32+s21+$0x0], $0xffff;
	v22 =	vand.u32 $0x7FFFFFFF, v22  }
0x271: {  	v31 =	vld.idx.msk [tilespmem:v33+s21+$0x0], $0xffff;
	v42 =	vand.u32 $0x7FFFFFFF, v26;
	v28 =	vsub.f32 v22, v23;
	v37 =	vsub.f32 v22, v30  }
0x272: {  	v20 =	vimm.f32 $0.0e+00;
	v33 =	vld.idx.msk [tilespmem:v34+s21+$0x0], $0xffff;
	v22 =	vadd.s32 $0x90, v21;
	v23 =	vsub.f32 v42, v23  }
0x273: {  	v32 =	vld.idx.msk [tilespmem:v35+s21+$0x0], $0xffff;
	v26 =	vadd.s32 $0x90, v24;
	v43 =	vadd.f32 $1.250000000e+00, v28;
	v44 =	vadd.f32 $1.250000000e+00, v37  }
0x274: {  	v35 =	vld.idx.msk [tilespmem:v38+s21+$0x0], $0xffff;
	v28 =	vadd.s32 $0x80, v21;
	v37 =	vsub.f32 v42, v30;
	v38 =	vadd.f32 $1.250000000e+00, v23  }
0x275: {  	v34 =	vld.idx.msk [tilespmem:v36+s21+$0x0], $0xffff;
	v30 =	vadd.s32 $0x70, v21;
	v62 =	vmax.f32 v43, $0.0e+00;
	v63 =	vmax.f32 v44, $0.0e+00  }
0x276: {  	s26 =	simm.s32 $0xC0;
	v36 =	vld.idx.msk [tilespmem:v41+s21+$0x0], $0xffff;
	v23 =	vimm.f32 $0.0e+00;
	v39 =	vmul.f32 v62, v39;
	v40 =	vmul.f32 v63, v40  }
.LBB2_21:
0x277: {  	p3 =	sne.s32 s26, $0x7C0;
	v41 =	vadd.s32 $0x50, v21;
	v42 =	vld.idx.msk [tilespmem:v22+s21+$0x0], $0xffff;
	v38 =	vmax.f32 v38, $0.0e+00;
	v37 =	vadd.f32 $1.250000000e+00, v37;
	v22 =	vmovc v26  }
0x278: {  	v43 =	vadd.s32 $0x60, v21;
	v26 =	vld.idx.msk [tilespmem:v5+s25+$0x0 ss:$0x1], $0xffff;
	v39 =	vadd.f32 v40, v39;
	v33 =	vmul.f32 v33, v38;
	s25 =	smov.u32 s24  }
0x279: {  	v44 =	vadd.s32 $0x20, v24;
	s24 =	sshra.s32 s26, $0x2;
	v40 =	vadd.s32 $0x10, v24;
	v38 =	vld.idx.msk [tilespmem:v4+s25+$0x0 ss:$0x1], $0xffff;
	v37 =	vmax.f32 v37, $0.0e+00  }
0x27a: {  	v34 =	vsub.f32 v29, v34;
	v45 =	vld.idx.msk [tilespmem:v2+s24+$0x0 ss:$0x1], $0xffff;
	v33 =	vadd.f32 v39, v33;
	v31 =	vmul.f32 v31, v37  }
0x27b: {  	v32 =	vsub.f32 v29, v32;
	v35 =	vsub.f32 v29, v35;
	v37 =	vmul.f32 v25, v27;
	v25 =	vld.idx.msk [tilespmem:v21+s21+$0x0], $0xffff  }
0x27c: {  	v34 =	vand.u32 $0x7FFFFFFF, v34;
	v36 =	vsub.f32 v29, v36;
	v21 =	vmovc v24;
	v39 =	vld.idx.msk [tilespmem:v41+s21+$0x0], $0xffff;
	v29 =	vadd.f32 v33, v31  }
0x27d: {  	v41 =	vadd.s32 $0x30, v21;
	v46 =	vadd.s32 $0x40, v21;
	v49 =	vsub.f32 v34, v35;
	v43 =	vld.idx.msk [tilespmem:v43+s21+$0x0], $0xffff  }
0x27e: {  	v47 =	vand.u32 $0x7FFFFFFF, v32;
	v27 =	vmovc v26;
	v31 =	vld.idx.msk [tilespmem:v28+s21+$0x0], $0xffff;
	v28 =	vsub.f32 v34, v36;
	v34 =	vmul.f32 v29, v37  }
.Ltmp13:
0x27f: {  	v48 =	vsub.f32 v47, v35;
	v35 =	vmul.f32 v19, v37;
	v19 =	vmovc v42;
	v33 =	vld.idx.msk [tilespmem:v30+s21+$0x0], $0xffff;
	v30 =	vadd.f32 $1.250000000e+00, v49;
	(pc) =	sbr.rel @p3 .LBB2_21-.Ltmp13, $4  }
0x280: {  	v26 =	vadd.s32 $0x90, v45;
	v24 =	vmovc v45;
	v32 =	vld.idx.msk [tilespmem:v44+s21+$0x0], $0xffff;
	v42 =	vadd.f32 $1.250000000e+00, v28;
	v20 =	vadd.f32 v34, v20;
	v29 =	vmovc v38  }
0x281: {  	v37 =	vsub.f32 v47, v36;
	v23 =	vadd.f32 v35, v23;
	v28 =	vadd.s32 $0x80, v21;
	v34 =	vld.idx.msk [tilespmem:v40+s21+$0x0], $0xffff  }
0x282: {  	v38 =	vadd.f32 $1.250000000e+00, v48;
	v40 =	vmax.f32 v30, $0.0e+00;
	v35 =	vld.idx.msk [tilespmem:v41+s21+$0x0], $0xffff;
	v41 =	vmax.f32 v42, $0.0e+00  }
0x283: {  	s26 =	sadd.s32 $0x40, s26;
	v30 =	vadd.s32 $0x70, v21;
	v39 =	vmul.f32 v40, v39;
	v36 =	vld.idx.msk [tilespmem:v46+s21+$0x0], $0xffff;
	v40 =	vmul.f32 v41, v43  }
0x284: {  	_ = 	snop  }
0x285: {  	v42 =	vadd.s32 $0x10, v24  }
0x286: {  	v41 =	vadd.s32 $0x50, v21;
	v38 =	vmax.f32 v38, $0.0e+00;
	v49 =	vadd.s32 $0x30, v24  }
0x287: {  	v37 =	vadd.f32 $1.250000000e+00, v37;
	v50 =	vadd.s32 $0x40, v24;
	v44 =	vadd.s32 $0x20, v24  }
0x288: {  	v43 =	vld.idx.msk [tilespmem:v4+s24+$0x0 ss:$0x1], $0xffff;
	v51 =	vadd.s32 $0x60, v21;
	v25 =	vmul.f32 v25, v27;
	v58 =	vadd.s32 $0x50, v24  }
0x289: {  	v61 =	vld.idx.msk [tilespmem:v5+s25+$0x0 ss:$0x1], $0xffff;
	v39 =	vadd.f32 v40, v39;
	v33 =	vmul.f32 v33, v38;
	v34 =	vsub.f32 v29, v34  }
0x28a: {  	v53 =	vsub.f32 v29, v32;
	v37 =	vmax.f32 v37, $0.0e+00;
	v35 =	vsub.f32 v29, v35;
	v52 =	vld.idx.msk [tilespmem:v42+s21+$0x0], $0xffff  }
0x28b: {  	v33 =	vadd.f32 v39, v33;
	v31 =	vmul.f32 v31, v37;
	v34 =	vand.u32 $0x7FFFFFFF, v34;
	v38 =	vld.idx.msk [tilespmem:v49+s21+$0x0], $0xffff  }
0x28c: {  	v36 =	vsub.f32 v29, v36;
	v29 =	vand.u32 $0x7FFFFFFF, v53;
	v54 =	vsub.f32 v34, v35;
	v56 =	vld.idx.msk [tilespmem:v50+s21+$0x0], $0xffff  }
0x28d: {  	v59 =	vadd.s32 $0x60, v24;
	v27 =	vadd.f32 v33, v31;
	v57 =	vld.idx.msk [tilespmem:v44+s21+$0x0], $0xffff;
	v35 =	vsub.f32 v29, v35  }
0x28e: {  	v62 =	vadd.s32 $0x70, v24;
	v41 =	vld.idx.msk [tilespmem:v41+s21+$0x0], $0xffff;
	v55 =	vsub.f32 v34, v36;
	v29 =	vsub.f32 v29, v36  }
0x28f: {  	v30 =	vld.idx.msk [tilespmem:v30+s21+$0x0], $0xffff;
	v63 =	vadd.s32 $0x80, v24;
	v32 =	vadd.f32 $1.250000000e+00, v54;
	v35 =	vadd.f32 $1.250000000e+00, v35  }
0x290: {  	v19 =	vmul.f32 v19, v25;
	v39 =	vld.idx.msk [tilespmem:v51+s21+$0x0], $0xffff;
	v31 =	vadd.f32 $1.250000000e+00, v55;
	v29 =	vadd.f32 $1.250000000e+00, v29  }
0x291: {  	v28 =	vld.idx.msk [tilespmem:v28+s21+$0x0], $0xffff;
	v32 =	vmax.f32 v32, $0.0e+00;
	v60 =	vsub.f32 v43, v52;
	v38 =	vsub.f32 v43, v38  }
0x292: {  	v40 =	vld.idx.msk [tilespmem:v58+s21+$0x0], $0xffff;
	v35 =	vmax.f32 v35, $0.0e+00;
	v33 =	vsub.f32 v43, v56;
	v34 =	vsub.f32 v43, v57  }
0x293: {  	v46 =	vld.idx.msk [tilespmem:v59+s21+$0x0], $0xffff;
	v32 =	vmul.f32 v32, v41;
	v31 =	vmax.f32 v31, $0.0e+00;
	v36 =	vand.u32 $0x7FFFFFFF, v60  }
0x294: {  	v48 =	vld.idx.msk [tilespmem:v62+s21+$0x0], $0xffff;
	v34 =	vand.u32 $0x7FFFFFFF, v34;
	v45 =	vsub.f32 v36, v38;
	v36 =	vsub.f32 v36, v33  }
0x295: {  	v49 =	vld.idx.msk [tilespmem:v21+s21+$0x0], $0xffff;
	v30 =	vmul.f32 v30, v35;
	v31 =	vmul.f32 v31, v39;
	v38 =	vsub.f32 v34, v38  }
0x296: {  	v51 =	vld.idx.msk [tilespmem:v63+s21+$0x0], $0xffff;
	v29 =	vmax.f32 v29, $0.0e+00;
	v47 =	vadd.f32 $1.250000000e+00, v45;
	v36 =	vadd.f32 $1.250000000e+00, v36  }
0x297: {  	v55 =	vld.idx.msk [tilespmem:v5+s24+$0x0 ss:$0x1], $0xffff;
	v28 =	vmul.f32 v28, v29;
	v31 =	vadd.f32 v31, v32;
	v50 =	vsub.f32 v34, v33  }
0x298: {  	v56 =	vld.idx.msk [tilespmem:v24+s21+$0x0], $0xffff;
	v54 =	vadd.f32 $1.250000000e+00, v38;
	v52 =	vmax.f32 v47, $0.0e+00;
	v53 =	vmax.f32 v36, $0.0e+00  }
0x299: {  	v22 =	vld.idx.msk [tilespmem:v22+s21+$0x0], $0xffff;
	v34 =	vmul.f32 v52, v40;
	v35 =	vmul.f32 v53, v46  }
0x29a: {  	v30 =	vadd.f32 v31, v30;
	v32 =	vadd.f32 $1.250000000e+00, v50;
	v57 =	vmax.f32 v54, $0.0e+00  }
0x29b: {  	v26 =	vld.idx.msk [tilespmem:v26+s21+$0x0], $0xffff;
	v27 =	vmul.f32 v27, v25;
	v31 =	vmul.f32 v48, v57;
	v58 =	vadd.f32 v35, v34  }
0x29c: {  	v21 =	vmul.f32 v49, v61;
	v32 =	vmax.f32 v32, $0.0e+00;
	v28 =	vadd.f32 v30, v28  }
0x29d: {  	v24 =	vmul.f32 v56, v55;
	v59 =	vmul.f32 v51, v32;
	v29 =	vadd.f32 v58, v31  }
0x29e: {  	v19 =	vadd.f32 v19, v23;
	v60 =	vmul.f32 v28, v21;
	v21 =	vmul.f32 v22, v21  }
0x29f: {  	v20 =	vadd.f32 v27, v20;
	v61 =	vadd.f32 v29, v59  }
0x2a0: {  	v63 =	vmul.f32 v26, v24;
	v19 =	vadd.f32 v21, v19  }
0x2a1: {  	v20 =	vadd.f32 v60, v20;
	v62 =	vmul.f32 v61, v24  }
0x2a2: {  	v19 =	vadd.f32 v63, v19  }
0x2a3: {  	v20 =	vadd.f32 v62, v20  }
0x2a4: {  	[tilespmem:$0x4EF8] =	vst v19  }
0x2a5: {  	[tilespmem:$0x4EE8] =	vst v20  }
0x2a6: {  	[spmem:s15] =	stream.linear.scatter [tilespmem:s22], [sflag:$0x6], $0x20, $0x38;
	[tilespmem:$0x5208] =	vst v63  }
.Ltmp14:
0x2a7: {  	_ =	swait.ge [sflag:s19], $0x20;
	(pc) =	sbr.rel @!p2 .LBB2_24-.Ltmp14, $3  }
0x2a8: {  	[sflag:s19] =	ssyncset.done $0x0  }
0x2a9: {  	[sflag:s19] =	ssyncadd.s32 $0xFFFFFFE0  }
0x2aa: {  	[bflag:$0x0] =	sbarrier.arrive $0xFFFF;
	_ =	sdelay $0x1  }
0x2ab: {  	s0 =	rddreg [dreg:$0x5];
	s1 =	simm.s32 $0x4F88  }
0x2ac: {  	[tilespmem:s1], [sflag:$0x6] =	stream.linear.gather [spmem:s0], $0x200, $0x38;
	[tilespmem:$0x5208] =	vst v63  }
0x2ad: {  	_ =	swait.ge [sflag:s19], $0x200  }
0x2ae: {  	[sflag:s19] =	ssyncset.done $0x0  }
0x2af: {  	[sflag:s19] =	ssyncadd.s32 $0xFFFFFE00  }
0x2b0: {  	v19 =	vld [tilespmem:$0x4F88]  }
0x2b1: {  	v20 =	vld [tilespmem:$0x4F98]  }
0x2b2: {  	v21 =	vld [tilespmem:$0x4FA8]  }
0x2b3: {  	v22 =	vld [tilespmem:$0x4FB8]  }
0x2b4: {  	v23 =	vld [tilespmem:$0x4FC8]  }
0x2b5: {  	v24 =	vld [tilespmem:$0x4FD8]  }
0x2b6: {  	v25 =	vld [tilespmem:$0x4FE8]  }
0x2b7: {  	v39 =	vld [tilespmem:$0x4FF8];
	v19 =	vadd.f32 v21, v19  }
0x2b8: {  	v40 =	vld [tilespmem:$0x5008];
	v20 =	vadd.f32 v22, v20  }
0x2b9: {  	v41 =	vld [tilespmem:$0x5018];
	v19 =	vadd.f32 v23, v19  }
0x2ba: {  	v42 =	vld [tilespmem:$0x5028];
	v20 =	vadd.f32 v24, v20  }
0x2bb: {  	v43 =	vld [tilespmem:$0x5038];
	v19 =	vadd.f32 v25, v19  }
0x2bc: {  	v44 =	vld [tilespmem:$0x5048];
	v20 =	vadd.f32 v39, v20  }
0x2bd: {  	v45 =	vld [tilespmem:$0x5058];
	v19 =	vadd.f32 v40, v19  }
0x2be: {  	v46 =	vld [tilespmem:$0x5068];
	v20 =	vadd.f32 v41, v20  }
0x2bf: {  	v47 =	vld [tilespmem:$0x5078];
	v19 =	vadd.f32 v42, v19  }
0x2c0: {  	v48 =	vld [tilespmem:$0x5088];
	v20 =	vadd.f32 v43, v20  }
0x2c1: {  	v49 =	vld [tilespmem:$0x5098];
	v19 =	vadd.f32 v44, v19  }
0x2c2: {  	v50 =	vld [tilespmem:$0x50A8];
	v20 =	vadd.f32 v45, v20  }
0x2c3: {  	v51 =	vld [tilespmem:$0x50B8];
	v19 =	vadd.f32 v46, v19  }
0x2c4: {  	v52 =	vld [tilespmem:$0x50C8];
	v20 =	vadd.f32 v47, v20  }
0x2c5: {  	v53 =	vld [tilespmem:$0x50D8];
	v19 =	vadd.f32 v48, v19  }
0x2c6: {  	v54 =	vld [tilespmem:$0x50E8];
	v20 =	vadd.f32 v49, v20  }
0x2c7: {  	v55 =	vld [tilespmem:$0x50F8];
	v19 =	vadd.f32 v50, v19  }
0x2c8: {  	v56 =	vld [tilespmem:$0x5108];
	v20 =	vadd.f32 v51, v20  }
0x2c9: {  	v57 =	vld [tilespmem:$0x5118];
	v19 =	vadd.f32 v52, v19  }
0x2ca: {  	v58 =	vld [tilespmem:$0x5128];
	v20 =	vadd.f32 v53, v20  }
0x2cb: {  	v59 =	vld [tilespmem:$0x5138];
	v19 =	vadd.f32 v54, v19  }
0x2cc: {  	v60 =	vld [tilespmem:$0x5148];
	v20 =	vadd.f32 v55, v20  }
0x2cd: {  	v61 =	vld [tilespmem:$0x5158];
	v19 =	vadd.f32 v56, v19  }
0x2ce: {  	v62 =	vld [tilespmem:$0x5168];
	v20 =	vadd.f32 v57, v20  }
0x2cf: {  	v63 =	vld [tilespmem:$0x5178];
	v19 =	vadd.f32 v58, v19  }
0x2d0: {  	v20 =	vadd.f32 v59, v20  }
0x2d1: {  	v19 =	vadd.f32 v60, v19  }
0x2d2: {  	v20 =	vadd.f32 v61, v20  }
0x2d3: {  	v19 =	vadd.f32 v62, v19  }
0x2d4: {  	v20 =	vadd.f32 v63, v20  }
0x2d5: {  	(xrf2) =	vadd.scan.msk.f32 $0xffff, v19  }
0x2d6: {  	(xrf2) =	vadd.scan.msk.f32 $0xffff, v20;
	_ =	sdelay $0x8  }
0x2d7: {  	v19, _, _ =	vpop (xrf2)  }
0x2d8: {  	v20, _, _ =	vpop (xrf2)  }
0x2d9: {  	v20 =	vbroadcast v20, $0xF  }
0x2da: {  	v19 =	vbroadcast v19, $0xF  }
0x2db: {  	v20 =	vnsel vm0, $0x0, v20  }
0x2dc: {  	v19 =	vsel vm1, v20, v19  }
.Ltmp15:
0x2dd: {  	s31 =	simm.s32 $0x5188;
	s30 =	rddreg [dreg:$0x9];
	[tilespmem:$0x5188] =	vst v19;
	(pc) =	sbr.rel .LBB2_24-.Ltmp15, $4  }
0x2de: {  	[hbm4b:s30+s4] =	stream.linear.scatter [tilespmem:s31], [sflag:$0x6], $0x10, $0x38;
	[tilespmem:$0x5208] =	vst v63  }
0x2df: {  	_ =	swait.ge [sflag:s19], $0x10  }
0x2e0: {  	[sflag:s19] =	ssyncset.done $0x0  }
0x2e1: {  	[sflag:s19] =	ssyncadd.s32 $0xFFFFFFF0  }
.LBB2_25:
0x2e2: {  	_ =	sfence.sel $0x180000  }
0x2e3: {  	[bflag:$0x0] =	sbarrier.arrive $0xFFFF  }
0x2e4: {  	_ =	strace $0x90000047  }
0x2e5: {  	[bflag:$0x2] =	sbarrier.arrive $0xFFFF  }
0x2e6: {  	s0 =	rddreg [dreg:$0x6]  }
0x2e7: {  	s0 =	sadd.s32 @!p0 $0x100000, s0  }
0x2e8: {  	[sflag:s0] =	ssyncadd.tile.s32 @!p0 $0x1;
	_ =	shalt  }
.Lfunc_end2:
_tile_overlayer_lowered:
.L_overlay_start_2:
0x2e9: {  	(tag) =	ssettag $0x2  }
0x2ea: {  	s0 =	rddreg [dreg:$0x0];
	s2 =	stileid.u32  }
0x2eb: {  	s1 =	rddreg [dreg:$0x1];
	p0 =	sne.s32 s2, $0x0  }
0x2ec: {  	s3 =	rddreg [dreg:$0x2];
	[bflag:$0x3] =	sbarrier.arrive $0xFFFF;
	s2 =	simm.s32 @!p0 $0x1C06  }
0x2ed: {  	[timem:s3], [sflag:s2] =	dma.local @!p0 [hbm:s0], s1  }
0x2ee: {  	s0 =	simm.s32 @!p0 $0x6  }
0x2ef: {  	_ =	swait.ge @!p0 [sflag:s0], s1  }
0x2f0: {  	s1 =	ssub.s32 @!p0 $0x0, s1;
	[sflag:s0] =	ssyncset.done @!p0 $0x0  }
0x2f1: {  	[sflag:s0] =	ssyncadd.s32 @!p0 s1  }
0x2f2: {  	[bflag:$0x3] =	sbarrier.arrive $0xFFFF  }
0x2f3: {  	_ =	shalt  }

</sc_bundles>
